<compile_context>
chip_gen: v7x
topology: tpu7x:2x2x1
jax: 0.10.2.dev20260603
libtpu: 0.0.44.dev20260713+nightly
codegen_flags: <defaults>
</compile_context>

<pallas_src>
import functools

import jax
import numpy as np

jax.config.update('jax_enable_x64', True)

import jax.numpy as jnp
from jax import lax
from jax.experimental import pallas as pl
from jax.experimental.pallas import tpu as pltpu
from jax.experimental.pallas import tpu_sc as plsc

_B, _D, _N = 4, 3, 4096
_C = 512
_ALPHA = 10.0
_EPS = 1e-6
_BIG = 2**30
_Z = np.int32(0)


def _i32(v):
    return v if v.dtype == jnp.int32 else v.astype(jnp.int32)

_NC, _NS = 2, 16
_PPC = 4
_NP = _B * 2
_CHUNK = _N // (_NS // _PPC)
_ROWS = _CHUNK // 128


_MASK = 0xFFF


def _dist_body(xa_ref, ga_ref, e1_ref, i1_ref, e2_ref, i2_ref, k2_scr):
    ga = ga_ref[0]
    k2_scr[...] = jnp.full((1, _N), jnp.inf, jnp.float32)

    def blk(i, carry):
        xc = xa_ref[0, pl.ds(i * _C, _C), :]
        p = lax.dot_general(xc, ga, (((1,), (0,)), ((), ())),
                            preferred_element_type=jnp.float32)
        t = lax.bitcast_convert_type(p, jnp.int32) & jnp.int32(~_MASK)
        lane = lax.broadcasted_iota(jnp.int32, p.shape, 1)
        sub = lax.broadcasted_iota(jnp.int32, p.shape, 0) + (i * _C)
        key1 = lax.bitcast_convert_type(t | lane, jnp.float32)
        key2 = lax.bitcast_convert_type(t | sub, jnp.float32)
        m1 = jnp.min(key1, axis=1)
        b1 = lax.bitcast_convert_type(m1, jnp.int32)
        d1 = lax.bitcast_convert_type(b1 & jnp.int32(~_MASK), jnp.float32)
        e1_ref[0, 0, pl.ds(i * _C, _C)] = jnp.exp(d1 * jnp.float32(-_ALPHA))
        i1_ref[0, 0, pl.ds(i * _C, _C)] = b1 & _MASK
        m2 = jnp.min(key2, axis=0, keepdims=True)
        k2_scr[...] = jnp.minimum(k2_scr[...], m2)
        return carry

    lax.fori_loop(jnp.int32(0), jnp.int32(_N // _C), blk, jnp.int32(0))
    b2 = lax.bitcast_convert_type(k2_scr[0, :], jnp.int32)
    d2 = lax.bitcast_convert_type(b2 & jnp.int32(~_MASK), jnp.float32)
    e2_ref[0, 0, :] = jnp.exp(d2 * jnp.float32(-_ALPHA))
    i2_ref[0, 0, :] = b2 & _MASK


_dist_call = pl.pallas_call(
    _dist_body,
    grid=(_B,),
    in_specs=[pl.BlockSpec((1, _N, 16), lambda b: (b, _Z, _Z)),
              pl.BlockSpec((1, 16, _N), lambda b: (b, _Z, _Z))],
    out_specs=[pl.BlockSpec((1, 1, _N), lambda b: (b, _Z, _Z))] * 4,
    out_shape=[jax.ShapeDtypeStruct((_B, 1, _N), jnp.float32),
               jax.ShapeDtypeStruct((_B, 1, _N), jnp.int32),
               jax.ShapeDtypeStruct((_B, 1, _N), jnp.float32),
               jax.ShapeDtypeStruct((_B, 1, _N), jnp.int32)],
    scratch_shapes=[pltpu.VMEM((1, _N), jnp.float32)],
)


def _sc_body(idx_hbm, val_hbm, out_hbm,
             idx_v, val_v, zbuf, ones_v, cnt_v, accbuf, bins):
    c = lax.axis_index("c")
    s = lax.axis_index("s")
    slot = s % _PPC
    q = s // _PPC
    p = c * _PPC + slot

    def fill_ones(j, carry):
        ones_v[pl.ds(j * 16, 16)] = jnp.full((16,), 1.0, jnp.float32)
        return carry
    lax.fori_loop(jnp.int32(0), jnp.int32(128 // 16), fill_ones, jnp.int32(0))

    def fill_zero(j, carry):
        zbuf[pl.ds(j * 16, 16)] = jnp.zeros((16,), jnp.float32)
        return carry
    lax.fori_loop(jnp.int32(0), jnp.int32(1024 // 16), fill_zero, jnp.int32(0))

    pltpu.sync_copy(idx_hbm.at[p, pl.ds(q * _ROWS, _ROWS), :], idx_v)
    pltpu.sync_copy(val_hbm.at[p, pl.ds(q * _CHUNK, _CHUNK)], val_v)
    pltpu.sync_copy(zbuf, bins.at[pl.ds(s * 1024, 1024)])
    plsc.subcore_barrier()
    for k in range(_ROWS):
        pltpu.sync_copy(ones_v, bins.at[idx_v.at[jnp.int32(k)]], add=True)
    plsc.subcore_barrier()
    pltpu.sync_copy(bins, cnt_v)

    acc = jnp.zeros((16,), jnp.float32)
    for r in range(_ROWS):
        def inner(j, a):
            ii = idx_v[jnp.int32(r), pl.ds(j * 16, 16)]
            vv = val_v[pl.ds(r * 128 + j * 16, 16)]
            cc = plsc.load_gather(cnt_v, [ii])
            return a + vv / (cc + jnp.float32(_EPS))
        acc = lax.fori_loop(jnp.int32(0), jnp.int32(128 // 16), inner, acc)
    accbuf[...] = acc
    pltpu.sync_copy(accbuf, out_hbm.at[c * _NS + s])


@functools.cache
def _get_sc_call():
  return pl.kernel(
    _sc_body,
    out_type=jax.ShapeDtypeStruct((_NC * _NS, 16), jnp.float32),
    mesh=plsc.VectorSubcoreMesh(core_axis_name="c", subcore_axis_name="s"),
    compiler_params=pltpu.CompilerParams(needs_layout_passes=False),
    scratch_types=[
        pltpu.VMEM((_ROWS, 128), jnp.int32),
        pltpu.VMEM((_CHUNK,), jnp.float32),
        pltpu.VMEM((1024,), jnp.float32),
        pltpu.VMEM((128,), jnp.float32),
        pltpu.VMEM((_PPC * _N,), jnp.float32),
        pltpu.VMEM((16,), jnp.float32),
        pltpu.VMEM_SHARED((_PPC * _N,), jnp.float32),
    ],
  )


def _split(v):
    bits = lax.bitcast_convert_type(v, jnp.int32)
    hf = lax.bitcast_convert_type(bits & jnp.int32(-65536), jnp.float32)
    hf = lax.optimization_barrier(hf)
    return hf.astype(jnp.bfloat16), (v - hf).astype(jnp.bfloat16)


def kernel(x, gt):
    x = x.astype(jnp.float32)
    gt = gt.astype(jnp.float32)
    xt = jnp.transpose(x, (0, 2, 1))
    xx = jnp.sum(xt * xt, axis=2, keepdims=True)
    yy = jnp.sum(gt * gt, axis=1, keepdims=True)
    xh, xl = _split(-2.0 * xt)
    xxh, xxl = _split(xx)
    gh, gl = _split(gt)
    yyh, yyl = _split(yy)
    one_x = jnp.ones((_B, _N, 1), jnp.bfloat16)
    one_g = jnp.ones((_B, 1, _N), jnp.bfloat16)
    lhs = jnp.concatenate([xh, xh, xl, xl, xxh, xxl, one_x, one_x], axis=2)
    rhs = jnp.concatenate([gh, gl, gh, gl, one_g, one_g, yyh, yyl], axis=1)
    e1, i1, e2, i2 = _dist_call(lhs, rhs)
    idx_all = jnp.concatenate([i1.reshape(_B, _N), i2.reshape(_B, _N)], axis=0)
    val_all = jnp.concatenate([e1.reshape(_B, _N), e2.reshape(_B, _N)], axis=0)
    offs = (jnp.arange(_NP, dtype=jnp.int32) % _PPC * _N)[:, None]
    idx_adj = (idx_all + offs).reshape(_NP, _N // 128, 128)
    part = _get_sc_call()(idx_adj, val_all)
    total = jnp.sum(part.astype(jnp.float64))
    return 1.0 - total / (_NP * _N)

# --- scband reference (transcript-rebuilt; emitter-appended) ---
"""Pipeline reference for scband-density-aware-chamfer-distance-27307402068673 (READ-ONLY COPY).

The authoritative reference and input builder live on the scoring server;
editing this copy changes nothing except your own understanding.
"""

import jax
jax.config.update('jax_enable_x64', True)
import jax.numpy as jnp
import numpy as np

ALPHA = 10
N_LAMBDA = 1
NON_REG = False

def setup_inputs(seed: int = 0) -> dict:
    key = jax.random.key(seed)
    k1, k2 = jax.random.split(key)
    x = jax.random.normal(k1, (4, 3, 4096), dtype=jnp.float32)
    gt = jax.random.normal(k2, (4, 3, 4096), dtype=jnp.float32)
    return {'x': x, 'gt': gt}

def _chamfer_raw(x, y):
    x = x.astype(jnp.float64)
    y = y.astype(jnp.float64)
    xx = jnp.sum(x ** 2, axis=1)            # [B, n]
    yy = jnp.sum(y ** 2, axis=1)            # [B, m]
    zz = jnp.einsum('bdn,bdm->bnm', x, y)   # [B, n, m]
    P = xx[:, :, None] + yy[:, None, :] - 2.0 * zz
    dist1 = jnp.min(P, axis=2)
    idx1 = jnp.argmin(P, axis=2).astype(jnp.int32)
    dist2 = jnp.min(P, axis=1)
    idx2 = jnp.argmin(P, axis=1).astype(jnp.int32)
    return dist1, dist2, idx1, idx2

def reference(x, gt):
    x = x.astype(jnp.float32)
    gt = gt.astype(jnp.float32)
    bs, dim, n_x = x.shape
    _, _, n_gt = gt.shape
    if NON_REG:
        frac_12 = max(1, n_x / n_gt)
        frac_21 = max(1, n_gt / n_x)
    else:
        frac_12 = n_x / n_gt
        frac_21 = n_gt / n_x
    dist1, dist2, idx1, idx2 = _chamfer_raw(x, gt)
    exp_dist1 = jnp.exp(-dist1 * ALPHA)
    exp_dist2 = jnp.exp(-dist2 * ALPHA)
    brows = jnp.arange(bs)[:, None]
    # count1: scatter-add of ones into [B, n_gt] at idx1
    count1 = jnp.zeros((bs, n_gt), dtype=jnp.int32).at[brows, idx1.astype(jnp.int64)].add(1)
    w1 = jnp.take_along_axis(count1, idx1.astype(jnp.int64), axis=1).astype(jnp.float32) ** N_LAMBDA
    w1 = jax.lax.stop_gradient(w1)
    weight1 = (w1 + 1e-06) ** (-1) * frac_21
    loss1 = jnp.mean(1.0 - exp_dist1 * weight1, axis=1)
    # count2: scatter-add of ones into [B, n_x] at idx2
    count2 = jnp.zeros((bs, n_x), dtype=jnp.int32).at[brows, idx2.astype(jnp.int64)].add(1)
    w2 = jnp.take_along_axis(count2, idx2.astype(jnp.int64), axis=1).astype(jnp.float32) ** N_LAMBDA
    w2 = jax.lax.stop_gradient(w2)
    weight2 = (w2 + 1e-06) ** (-1) * frac_12
    loss2 = jnp.mean(1.0 - exp_dist2 * weight2, axis=1)
    loss = (loss1 + loss2) / 2.0
    return jnp.mean(loss)

if __name__ == "__main__":
    import jax
    _d = setup_inputs()
    print(jax.jit(kernel)(*tuple(_d.values())))

</pallas_src>

<mosaic_0001>
#map = affine_map<(d0, d1) -> (0, 0, 0)>
#map1 = affine_map<(d0, d1) -> (0, 0)>
module attributes {stable_mosaic.version = 14 : i64} {
  func.func @_sc_body(%arg0: i32, %arg1: i32, %arg2: memref<8x32x128xi32, #tpu.memory_space<hbm>>, %arg3: memref<8x4096xf32, #tpu.memory_space<hbm>>, %arg4: memref<32x16xf32, #tpu.memory_space<hbm>>, %arg5: memref<8x128xi32, #tpu.memory_space<vmem>>, %arg6: memref<1024xf32, #tpu.memory_space<vmem>>, %arg7: memref<1024xf32, #tpu.memory_space<vmem>>, %arg8: memref<128xf32, #tpu.memory_space<vmem>>, %arg9: memref<16384xf32, #tpu.memory_space<vmem>>, %arg10: memref<16xf32, #tpu.memory_space<vmem>>, %arg11: memref<16384xf32, #tpu.memory_space<vmem_shared>>) attributes {dimension_semantics = [#tpu.dimension_semantics<core_parallel>, #tpu.dimension_semantics<subcore_parallel>], iteration_bounds = array<i64: 2, 16>, scalar_prefetch = 0 : i64, scratch_operands = 7 : i64, tpu.core_type = #tpu.core_type<sc_vector_subcore>, window_params = [{transform_indices = #map}, {transform_indices = #map1}, {transform_indices = #map1}]} {
    %jit3A = arith.constant 4 : i64
    %convert_element_type3A = arith.trunci %jit3A : i64 to i32
    %eq3A = arith.constant 0 : i32
    %eq3A_0 = arith.cmpi eq, %convert_element_type3A, %eq3A : i32
    %jit3A_1 = arith.constant 1 : i32
    %select_n3A = arith.select %eq3A_0, %jit3A_1, %convert_element_type3A : i32
    %rem3A = arith.remsi %arg1, %select_n3A : i32
    %ne3A = arith.constant 0 : i32
    %ne3A_2 = arith.cmpi ne, %rem3A, %ne3A : i32
    %lt3A = arith.constant 0 : i32
    %lt3A_3 = arith.cmpi slt, %rem3A, %lt3A : i32
    %lt3A_4 = arith.constant 0 : i32
    %lt3A_5 = arith.cmpi slt, %select_n3A, %lt3A_4 : i32
    %ne3A_6 = arith.xori %lt3A_3, %lt3A_5 : i1
    %and3A = arith.andi %ne3A_6, %ne3A_2 : i1
    %add3A = arith.addi %rem3A, %select_n3A : i32
    %select_n3A_7 = arith.select %and3A, %add3A, %rem3A : i32
    %jit3A_8 = arith.constant 4 : i64
    %convert_element_type3A_9 = arith.trunci %jit3A_8 : i64 to i32
    %div3A = arith.divsi %arg1, %convert_element_type3A_9 : i32
    %sign3A = arith.constant 0 : i32
    %sign3A_10 = arith.cmpi sgt, %arg1, %sign3A : i32
    %sign3A_11 = arith.extui %sign3A_10 : i1 to i32
    %sign3A_12 = arith.constant 0 : i32
    %sign3A_13 = arith.cmpi slt, %arg1, %sign3A_12 : i32
    %sign3A_14 = arith.extui %sign3A_13 : i1 to i32
    %sign3A_15 = arith.subi %sign3A_11, %sign3A_14 : i32
    %sign3A_16 = arith.constant 0 : i32
    %sign3A_17 = arith.cmpi sgt, %convert_element_type3A_9, %sign3A_16 : i32
    %sign3A_18 = arith.extui %sign3A_17 : i1 to i32
    %sign3A_19 = arith.constant 0 : i32
    %sign3A_20 = arith.cmpi slt, %convert_element_type3A_9, %sign3A_19 : i32
    %sign3A_21 = arith.extui %sign3A_20 : i1 to i32
    %sign3A_22 = arith.subi %sign3A_18, %sign3A_21 : i32
    %ne3A_23 = arith.cmpi ne, %sign3A_15, %sign3A_22 : i32
    %rem3A_24 = arith.remsi %arg1, %convert_element_type3A_9 : i32
    %ne3A_25 = arith.constant 0 : i32
    %ne3A_26 = arith.cmpi ne, %rem3A_24, %ne3A_25 : i32
    %and3A_27 = arith.andi %ne3A_23, %ne3A_26 : i1
    %sub3A = arith.constant 1 : i32
    %sub3A_28 = arith.subi %div3A, %sub3A : i32
    %select_n3A_29 = arith.select %and3A_27, %sub3A_28, %div3A : i32
    %mul3A = arith.constant 4 : i32
    %mul3A_30 = arith.muli %arg0, %mul3A : i32
    %add3A_31 = arith.addi %mul3A_30, %select_n3A_7 : i32
    %while3A = arith.constant 0 : i32
    %while3A_32 = arith.constant 0 : i32
    %while3A_33 = arith.constant 8 : i32
    %while3A_34 = arith.subi %while3A_33, %while3A_32 : i32
    %while3A_35 = arith.addi %while3A_32, %while3A_34 : i32
    %while3A_36 = arith.constant 1 : i32
    %while3A_37 = arith.divsi %while3A_34, %while3A_36 : i32
    %while3A_38 = arith.muli %while3A_37, %while3A_36 : i32
    %while3A_39 = arith.addi %while3A_32, %while3A_38 : i32
    %while3A_40 = arith.constant 1 : i32
    scf.for %while3A_168 = %while3A_32 to %while3A_39 step %while3A_40  : i32 {
      %broadcast_in_dim3A_169 = arith.constant 1.000000e+00 : f32
      %broadcast_in_dim3A_170 = vector.broadcast %broadcast_in_dim3A_169 : f32 to vector<16xf32>
      %mul3A_171 = arith.constant 16 : i32
      %mul3A_172 = arith.muli %while3A_168, %mul3A_171 : i32
      %swap3A_173 = arith.index_cast %mul3A_172 : i32 to index
      %swap3A_174 = tpu.vector_load %arg8[%swap3A_173] {strides = array<i32>} : memref<128xf32, #tpu.memory_space<vmem>>, vector<16xf32>,
      tpu.vector_store %arg8[%swap3A_173], %broadcast_in_dim3A_170 {strides = array<i32>} : memref<128xf32, #tpu.memory_space<vmem>>, vector<16xf32>,
    }
    %while3A_41 = arith.constant 1 : i32
    scf.for %while3A_168 = %while3A_39 to %while3A_35 step %while3A_41  : i32 {
      %broadcast_in_dim3A_169 = arith.constant 1.000000e+00 : f32
      %broadcast_in_dim3A_170 = vector.broadcast %broadcast_in_dim3A_169 : f32 to vector<16xf32>
      %mul3A_171 = arith.constant 16 : i32
      %mul3A_172 = arith.muli %while3A_168, %mul3A_171 : i32
      %swap3A_173 = arith.index_cast %mul3A_172 : i32 to index
      %swap3A_174 = tpu.vector_load %arg8[%swap3A_173] {strides = array<i32>} : memref<128xf32, #tpu.memory_space<vmem>>, vector<16xf32>,
      tpu.vector_store %arg8[%swap3A_173], %broadcast_in_dim3A_170 {strides = array<i32>} : memref<128xf32, #tpu.memory_space<vmem>>, vector<16xf32>,
    }
    %while3A_42 = arith.constant 0 : i32
    %while3A_43 = arith.constant 0 : i32
    %while3A_44 = arith.constant 64 : i32
    %while3A_45 = arith.subi %while3A_44, %while3A_43 : i32
    %while3A_46 = arith.addi %while3A_43, %while3A_45 : i32
    %while3A_47 = arith.constant 1 : i32
    %while3A_48 = arith.divsi %while3A_45, %while3A_47 : i32
    %while3A_49 = arith.muli %while3A_48, %while3A_47 : i32
    %while3A_50 = arith.addi %while3A_43, %while3A_49 : i32
    %while3A_51 = arith.constant 1 : i32
    scf.for %while3A_168 = %while3A_43 to %while3A_50 step %while3A_51  : i32 {
      %broadcast_in_dim3A_169 = arith.constant 0.000000e+00 : f32
      %broadcast_in_dim3A_170 = vector.broadcast %broadcast_in_dim3A_169 : f32 to vector<16xf32>
      %mul3A_171 = arith.constant 16 : i32
      %mul3A_172 = arith.muli %while3A_168, %mul3A_171 : i32
      %swap3A_173 = arith.index_cast %mul3A_172 : i32 to index
      %swap3A_174 = tpu.vector_load %arg7[%swap3A_173] {strides = array<i32>} : memref<1024xf32, #tpu.memory_space<vmem>>, vector<16xf32>,
      tpu.vector_store %arg7[%swap3A_173], %broadcast_in_dim3A_170 {strides = array<i32>} : memref<1024xf32, #tpu.memory_space<vmem>>, vector<16xf32>,
    }
    %while3A_52 = arith.constant 1 : i32
    scf.for %while3A_168 = %while3A_50 to %while3A_46 step %while3A_52  : i32 {
      %broadcast_in_dim3A_169 = arith.constant 0.000000e+00 : f32
      %broadcast_in_dim3A_170 = vector.broadcast %broadcast_in_dim3A_169 : f32 to vector<16xf32>
      %mul3A_171 = arith.constant 16 : i32
      %mul3A_172 = arith.muli %while3A_168, %mul3A_171 : i32
      %swap3A_173 = arith.index_cast %mul3A_172 : i32 to index
      %swap3A_174 = tpu.vector_load %arg7[%swap3A_173] {strides = array<i32>} : memref<1024xf32, #tpu.memory_space<vmem>>, vector<16xf32>,
      tpu.vector_store %arg7[%swap3A_173], %broadcast_in_dim3A_170 {strides = array<i32>} : memref<1024xf32, #tpu.memory_space<vmem>>, vector<16xf32>,
    }
    %mul3A_53 = arith.constant 8 : i32
    %mul3A_54 = arith.muli %select_n3A_29, %mul3A_53 : i32
    "tpu.region"() ({
      %run_scoped3A_168 = tpu.sem_alloc : memref<!tpu.dma_semaphore, #tpu.memory_space<semaphore_mem>>
      %dma_start3A = arith.constant 0 : i32
      %dma_start3A_169 = tpu.memref_slice %arg2[%add3A_31, %mul3A_54, %dma_start3A] : memref<8x32x128xi32, #tpu.memory_space<hbm>> -> memref<1x8x128xi32, #tpu.memory_space<hbm>>
      %dma_start3A_170 = tpu.memref_squeeze %dma_start3A_169 : memref<1x8x128xi32, #tpu.memory_space<hbm>> -> memref<8x128xi32, #tpu.memory_space<hbm>>
      %dma_start3A_171 = arith.constant 0 : i32
      %dma_start3A_172 = tpu.memref_slice %arg2[%add3A_31, %mul3A_54, %dma_start3A_171] : memref<8x32x128xi32, #tpu.memory_space<hbm>> -> memref<1x8x128xi32, #tpu.memory_space<hbm>>
      %dma_start3A_173 = tpu.memref_squeeze %dma_start3A_172 : memref<1x8x128xi32, #tpu.memory_space<hbm>> -> memref<8x128xi32, #tpu.memory_space<hbm>>
      tpu.enqueue_dma source(%dma_start3A_173 : memref<8x128xi32, #tpu.memory_space<hbm>>) target(%arg5 : memref<8x128xi32, #tpu.memory_space<vmem>>) target_semaphore(%run_scoped3A_168 : memref<!tpu.dma_semaphore, #tpu.memory_space<semaphore_mem>>)
      %dma_wait3A = arith.constant 0 : i32
      %dma_wait3A_174 = tpu.memref_slice %arg2[%add3A_31, %mul3A_54, %dma_wait3A] : memref<8x32x128xi32, #tpu.memory_space<hbm>> -> memref<1x8x128xi32, #tpu.memory_space<hbm>>
      %dma_wait3A_175 = tpu.memref_squeeze %dma_wait3A_174 : memref<1x8x128xi32, #tpu.memory_space<hbm>> -> memref<8x128xi32, #tpu.memory_space<hbm>>
      %dma_wait3A_176 = arith.constant 0 : i32
      %dma_wait3A_177 = tpu.memref_slice %arg2[%add3A_31, %mul3A_54, %dma_wait3A_176] : memref<8x32x128xi32, #tpu.memory_space<hbm>> -> memref<1x8x128xi32, #tpu.memory_space<hbm>>
      %dma_wait3A_178 = tpu.memref_squeeze %dma_wait3A_177 : memref<1x8x128xi32, #tpu.memory_space<hbm>> -> memref<8x128xi32, #tpu.memory_space<hbm>>
      tpu.wait_dma2 semaphore(%run_scoped3A_168 : memref<!tpu.dma_semaphore, #tpu.memory_space<semaphore_mem>>) src(%dma_wait3A_178 : memref<8x128xi32, #tpu.memory_space<hbm>>) dst(%arg5 : memref<8x128xi32, #tpu.memory_space<vmem>>)
      tpu.yield
    }) : () -> ()
    %mul3A_55 = arith.constant 1024 : i32
    %mul3A_56 = arith.muli %select_n3A_29, %mul3A_55 : i32
    "tpu.region"() ({
      %run_scoped3A_168 = tpu.sem_alloc : memref<!tpu.dma_semaphore, #tpu.memory_space<semaphore_mem>>
      %dma_start3A = tpu.memref_slice %arg3[%add3A_31, %mul3A_56] : memref<8x4096xf32, #tpu.memory_space<hbm>> -> memref<1x1024xf32, #tpu.memory_space<hbm>>
      %dma_start3A_169 = tpu.memref_squeeze %dma_start3A : memref<1x1024xf32, #tpu.memory_space<hbm>> -> memref<1024xf32, #tpu.memory_space<hbm>>
      %dma_start3A_170 = tpu.memref_slice %arg3[%add3A_31, %mul3A_56] : memref<8x4096xf32, #tpu.memory_space<hbm>> -> memref<1x1024xf32, #tpu.memory_space<hbm>>
      %dma_start3A_171 = tpu.memref_squeeze %dma_start3A_170 : memref<1x1024xf32, #tpu.memory_space<hbm>> -> memref<1024xf32, #tpu.memory_space<hbm>>
      tpu.enqueue_dma source(%dma_start3A_171 : memref<1024xf32, #tpu.memory_space<hbm>>) target(%arg6 : memref<1024xf32, #tpu.memory_space<vmem>>) target_semaphore(%run_scoped3A_168 : memref<!tpu.dma_semaphore, #tpu.memory_space<semaphore_mem>>)
      %dma_wait3A = tpu.memref_slice %arg3[%add3A_31, %mul3A_56] : memref<8x4096xf32, #tpu.memory_space<hbm>> -> memref<1x1024xf32, #tpu.memory_space<hbm>>
      %dma_wait3A_172 = tpu.memref_squeeze %dma_wait3A : memref<1x1024xf32, #tpu.memory_space<hbm>> -> memref<1024xf32, #tpu.memory_space<hbm>>
      %dma_wait3A_173 = tpu.memref_slice %arg3[%add3A_31, %mul3A_56] : memref<8x4096xf32, #tpu.memory_space<hbm>> -> memref<1x1024xf32, #tpu.memory_space<hbm>>
      %dma_wait3A_174 = tpu.memref_squeeze %dma_wait3A_173 : memref<1x1024xf32, #tpu.memory_space<hbm>> -> memref<1024xf32, #tpu.memory_space<hbm>>
      tpu.wait_dma2 semaphore(%run_scoped3A_168 : memref<!tpu.dma_semaphore, #tpu.memory_space<semaphore_mem>>) src(%dma_wait3A_174 : memref<1024xf32, #tpu.memory_space<hbm>>) dst(%arg6 : memref<1024xf32, #tpu.memory_space<vmem>>)
      tpu.yield
    }) : () -> ()
    %mul3A_57 = arith.constant 1024 : i32
    %mul3A_58 = arith.muli %arg1, %mul3A_57 : i32
    "tpu.region"() ({
      %run_scoped3A_168 = tpu.sem_alloc : memref<!tpu.dma_semaphore, #tpu.memory_space<semaphore_mem>>
      %dma_start3A = tpu.memref_slice %arg11[%mul3A_58] : memref<16384xf32, #tpu.memory_space<vmem_shared>> -> memref<1024xf32, #tpu.memory_space<vmem_shared>>
      %dma_start3A_169 = tpu.memref_slice %arg11[%mul3A_58] : memref<16384xf32, #tpu.memory_space<vmem_shared>> -> memref<1024xf32, #tpu.memory_space<vmem_shared>>
      tpu.enqueue_dma source(%arg7 : memref<1024xf32, #tpu.memory_space<vmem>>) target(%dma_start3A_169 : memref<1024xf32, #tpu.memory_space<vmem_shared>>) target_semaphore(%run_scoped3A_168 : memref<!tpu.dma_semaphore, #tpu.memory_space<semaphore_mem>>)
      %dma_wait3A = tpu.memref_slice %arg11[%mul3A_58] : memref<16384xf32, #tpu.memory_space<vmem_shared>> -> memref<1024xf32, #tpu.memory_space<vmem_shared>>
      %dma_wait3A_170 = tpu.memref_slice %arg11[%mul3A_58] : memref<16384xf32, #tpu.memory_space<vmem_shared>> -> memref<1024xf32, #tpu.memory_space<vmem_shared>>
      tpu.wait_dma2 semaphore(%run_scoped3A_168 : memref<!tpu.dma_semaphore, #tpu.memory_space<semaphore_mem>>) src(%arg7 : memref<1024xf32, #tpu.memory_space<vmem>>) dst(%dma_wait3A_170 : memref<1024xf32, #tpu.memory_space<vmem_shared>>)
      tpu.yield
    }) : () -> ()
    %barrier3A = arith.constant 0 : index
    tpu.barrier barrier_id(%barrier3A)
    %run_scoped3A = arith.constant 0 : i32
    "tpu.region"() ({
      %run_scoped3A_168 = tpu.sem_alloc : memref<!tpu.dma_semaphore, #tpu.memory_space<semaphore_mem>>
      %dma_start3A = arith.constant 0 : i32
      %dma_start3A_169 = tpu.memref_slice %arg5[%run_scoped3A, %dma_start3A] : memref<8x128xi32, #tpu.memory_space<vmem>> -> memref<1x128xi32, #tpu.memory_space<vmem>>
      %dma_start3A_170 = tpu.memref_squeeze %dma_start3A_169 : memref<1x128xi32, #tpu.memory_space<vmem>> -> memref<128xi32, #tpu.memory_space<vmem>>
      %dma_start3A_171 = arith.constant 0 : i32
      %dma_start3A_172 = tpu.memref_slice %arg11[%dma_start3A_171] : memref<16384xf32, #tpu.memory_space<vmem_shared>> -> memref<16384xf32, #tpu.memory_space<vmem_shared>>
      tpu.enqueue_indirect_dma source(%arg8 : memref<128xf32, #tpu.memory_space<vmem>>) target(%dma_start3A_172 : memref<16384xf32, #tpu.memory_space<vmem_shared>>) offsets(%dma_start3A_170 : memref<128xi32, #tpu.memory_space<vmem>>) semaphore(%run_scoped3A_168 : memref<!tpu.dma_semaphore, #tpu.memory_space<semaphore_mem>>) {add = true}
      %dma_wait3A = arith.constant 0 : i32
      %dma_wait3A_173 = tpu.memref_slice %arg5[%run_scoped3A, %dma_wait3A] : memref<8x128xi32, #tpu.memory_space<vmem>> -> memref<1x128xi32, #tpu.memory_space<vmem>>
      %dma_wait3A_174 = tpu.memref_squeeze %dma_wait3A_173 : memref<1x128xi32, #tpu.memory_space<vmem>> -> memref<128xi32, #tpu.memory_space<vmem>>
      %dma_wait3A_175 = arith.constant 0 : i32
      %dma_wait3A_176 = tpu.memref_slice %arg11[%dma_wait3A_175] : memref<16384xf32, #tpu.memory_space<vmem_shared>> -> memref<16384xf32, #tpu.memory_space<vmem_shared>>
      tpu.wait_indirect_dma semaphore(%run_scoped3A_168 : memref<!tpu.dma_semaphore, #tpu.memory_space<semaphore_mem>>) src(%arg8 : memref<128xf32, #tpu.memory_space<vmem>>) dst(%dma_wait3A_176 : memref<16384xf32, #tpu.memory_space<vmem_shared>>)
      tpu.yield
    }) : () -> ()
    %run_scoped3A_59 = arith.constant 1 : i32
    "tpu.region"() ({
      %run_scoped3A_168 = tpu.sem_alloc : memref<!tpu.dma_semaphore, #tpu.memory_space<semaphore_mem>>
      %dma_start3A = arith.constant 0 : i32
      %dma_start3A_169 = tpu.memref_slice %arg5[%run_scoped3A_59, %dma_start3A] : memref<8x128xi32, #tpu.memory_space<vmem>> -> memref<1x128xi32, #tpu.memory_space<vmem>>
      %dma_start3A_170 = tpu.memref_squeeze %dma_start3A_169 : memref<1x128xi32, #tpu.memory_space<vmem>> -> memref<128xi32, #tpu.memory_space<vmem>>
      %dma_start3A_171 = arith.constant 0 : i32
      %dma_start3A_172 = tpu.memref_slice %arg11[%dma_start3A_171] : memref<16384xf32, #tpu.memory_space<vmem_shared>> -> memref<16384xf32, #tpu.memory_space<vmem_shared>>
      tpu.enqueue_indirect_dma source(%arg8 : memref<128xf32, #tpu.memory_space<vmem>>) target(%dma_start3A_172 : memref<16384xf32, #tpu.memory_space<vmem_shared>>) offsets(%dma_start3A_170 : memref<128xi32, #tpu.memory_space<vmem>>) semaphore(%run_scoped3A_168 : memref<!tpu.dma_semaphore, #tpu.memory_space<semaphore_mem>>) {add = true}
      %dma_wait3A = arith.constant 0 : i32
      %dma_wait3A_173 = tpu.memref_slice %arg5[%run_scoped3A_59, %dma_wait3A] : memref<8x128xi32, #tpu.memory_space<vmem>> -> memref<1x128xi32, #tpu.memory_space<vmem>>
      %dma_wait3A_174 = tpu.memref_squeeze %dma_wait3A_173 : memref<1x128xi32, #tpu.memory_space<vmem>> -> memref<128xi32, #tpu.memory_space<vmem>>
      %dma_wait3A_175 = arith.constant 0 : i32
      %dma_wait3A_176 = tpu.memref_slice %arg11[%dma_wait3A_175] : memref<16384xf32, #tpu.memory_space<vmem_shared>> -> memref<16384xf32, #tpu.memory_space<vmem_shared>>
      tpu.wait_indirect_dma semaphore(%run_scoped3A_168 : memref<!tpu.dma_semaphore, #tpu.memory_space<semaphore_mem>>) src(%arg8 : memref<128xf32, #tpu.memory_space<vmem>>) dst(%dma_wait3A_176 : memref<16384xf32, #tpu.memory_space<vmem_shared>>)
      tpu.yield
    }) : () -> ()
    %run_scoped3A_60 = arith.constant 2 : i32
    "tpu.region"() ({
      %run_scoped3A_168 = tpu.sem_alloc : memref<!tpu.dma_semaphore, #tpu.memory_space<semaphore_mem>>
      %dma_start3A = arith.constant 0 : i32
      %dma_start3A_169 = tpu.memref_slice %arg5[%run_scoped3A_60, %dma_start3A] : memref<8x128xi32, #tpu.memory_space<vmem>> -> memref<1x128xi32, #tpu.memory_space<vmem>>
      %dma_start3A_170 = tpu.memref_squeeze %dma_start3A_169 : memref<1x128xi32, #tpu.memory_space<vmem>> -> memref<128xi32, #tpu.memory_space<vmem>>
      %dma_start3A_171 = arith.constant 0 : i32
      %dma_start3A_172 = tpu.memref_slice %arg11[%dma_start3A_171] : memref<16384xf32, #tpu.memory_space<vmem_shared>> -> memref<16384xf32, #tpu.memory_space<vmem_shared>>
      tpu.enqueue_indirect_dma source(%arg8 : memref<128xf32, #tpu.memory_space<vmem>>) target(%dma_start3A_172 : memref<16384xf32, #tpu.memory_space<vmem_shared>>) offsets(%dma_start3A_170 : memref<128xi32, #tpu.memory_space<vmem>>) semaphore(%run_scoped3A_168 : memref<!tpu.dma_semaphore, #tpu.memory_space<semaphore_mem>>) {add = true}
      %dma_wait3A = arith.constant 0 : i32
      %dma_wait3A_173 = tpu.memref_slice %arg5[%run_scoped3A_60, %dma_wait3A] : memref<8x128xi32, #tpu.memory_space<vmem>> -> memref<1x128xi32, #tpu.memory_space<vmem>>
      %dma_wait3A_174 = tpu.memref_squeeze %dma_wait3A_173 : memref<1x128xi32, #tpu.memory_space<vmem>> -> memref<128xi32, #tpu.memory_space<vmem>>
      %dma_wait3A_175 = arith.constant 0 : i32
      %dma_wait3A_176 = tpu.memref_slice %arg11[%dma_wait3A_175] : memref<16384xf32, #tpu.memory_space<vmem_shared>> -> memref<16384xf32, #tpu.memory_space<vmem_shared>>
      tpu.wait_indirect_dma semaphore(%run_scoped3A_168 : memref<!tpu.dma_semaphore, #tpu.memory_space<semaphore_mem>>) src(%arg8 : memref<128xf32, #tpu.memory_space<vmem>>) dst(%dma_wait3A_176 : memref<16384xf32, #tpu.memory_space<vmem_shared>>)
      tpu.yield
    }) : () -> ()
    %run_scoped3A_61 = arith.constant 3 : i32
    "tpu.region"() ({
      %run_scoped3A_168 = tpu.sem_alloc : memref<!tpu.dma_semaphore, #tpu.memory_space<semaphore_mem>>
      %dma_start3A = arith.constant 0 : i32
      %dma_start3A_169 = tpu.memref_slice %arg5[%run_scoped3A_61, %dma_start3A] : memref<8x128xi32, #tpu.memory_space<vmem>> -> memref<1x128xi32, #tpu.memory_space<vmem>>
      %dma_start3A_170 = tpu.memref_squeeze %dma_start3A_169 : memref<1x128xi32, #tpu.memory_space<vmem>> -> memref<128xi32, #tpu.memory_space<vmem>>
      %dma_start3A_171 = arith.constant 0 : i32
      %dma_start3A_172 = tpu.memref_slice %arg11[%dma_start3A_171] : memref<16384xf32, #tpu.memory_space<vmem_shared>> -> memref<16384xf32, #tpu.memory_space<vmem_shared>>
      tpu.enqueue_indirect_dma source(%arg8 : memref<128xf32, #tpu.memory_space<vmem>>) target(%dma_start3A_172 : memref<16384xf32, #tpu.memory_space<vmem_shared>>) offsets(%dma_start3A_170 : memref<128xi32, #tpu.memory_space<vmem>>) semaphore(%run_scoped3A_168 : memref<!tpu.dma_semaphore, #tpu.memory_space<semaphore_mem>>) {add = true}
      %dma_wait3A = arith.constant 0 : i32
      %dma_wait3A_173 = tpu.memref_slice %arg5[%run_scoped3A_61, %dma_wait3A] : memref<8x128xi32, #tpu.memory_space<vmem>> -> memref<1x128xi32, #tpu.memory_space<vmem>>
      %dma_wait3A_174 = tpu.memref_squeeze %dma_wait3A_173 : memref<1x128xi32, #tpu.memory_space<vmem>> -> memref<128xi32, #tpu.memory_space<vmem>>
      %dma_wait3A_175 = arith.constant 0 : i32
      %dma_wait3A_176 = tpu.memref_slice %arg11[%dma_wait3A_175] : memref<16384xf32, #tpu.memory_space<vmem_shared>> -> memref<16384xf32, #tpu.memory_space<vmem_shared>>
      tpu.wait_indirect_dma semaphore(%run_scoped3A_168 : memref<!tpu.dma_semaphore, #tpu.memory_space<semaphore_mem>>) src(%arg8 : memref<128xf32, #tpu.memory_space<vmem>>) dst(%dma_wait3A_176 : memref<16384xf32, #tpu.memory_space<vmem_shared>>)
      tpu.yield
    }) : () -> ()
    %run_scoped3A_62 = arith.constant 4 : i32
    "tpu.region"() ({
      %run_scoped3A_168 = tpu.sem_alloc : memref<!tpu.dma_semaphore, #tpu.memory_space<semaphore_mem>>
      %dma_start3A = arith.constant 0 : i32
      %dma_start3A_169 = tpu.memref_slice %arg5[%run_scoped3A_62, %dma_start3A] : memref<8x128xi32, #tpu.memory_space<vmem>> -> memref<1x128xi32, #tpu.memory_space<vmem>>
      %dma_start3A_170 = tpu.memref_squeeze %dma_start3A_169 : memref<1x128xi32, #tpu.memory_space<vmem>> -> memref<128xi32, #tpu.memory_space<vmem>>
      %dma_start3A_171 = arith.constant 0 : i32
      %dma_start3A_172 = tpu.memref_slice %arg11[%dma_start3A_171] : memref<16384xf32, #tpu.memory_space<vmem_shared>> -> memref<16384xf32, #tpu.memory_space<vmem_shared>>
      tpu.enqueue_indirect_dma source(%arg8 : memref<128xf32, #tpu.memory_space<vmem>>) target(%dma_start3A_172 : memref<16384xf32, #tpu.memory_space<vmem_shared>>) offsets(%dma_start3A_170 : memref<128xi32, #tpu.memory_space<vmem>>) semaphore(%run_scoped3A_168 : memref<!tpu.dma_semaphore, #tpu.memory_space<semaphore_mem>>) {add = true}
      %dma_wait3A = arith.constant 0 : i32
      %dma_wait3A_173 = tpu.memref_slice %arg5[%run_scoped3A_62, %dma_wait3A] : memref<8x128xi32, #tpu.memory_space<vmem>> -> memref<1x128xi32, #tpu.memory_space<vmem>>
      %dma_wait3A_174 = tpu.memref_squeeze %dma_wait3A_173 : memref<1x128xi32, #tpu.memory_space<vmem>> -> memref<128xi32, #tpu.memory_space<vmem>>
      %dma_wait3A_175 = arith.constant 0 : i32
      %dma_wait3A_176 = tpu.memref_slice %arg11[%dma_wait3A_175] : memref<16384xf32, #tpu.memory_space<vmem_shared>> -> memref<16384xf32, #tpu.memory_space<vmem_shared>>
      tpu.wait_indirect_dma semaphore(%run_scoped3A_168 : memref<!tpu.dma_semaphore, #tpu.memory_space<semaphore_mem>>) src(%arg8 : memref<128xf32, #tpu.memory_space<vmem>>) dst(%dma_wait3A_176 : memref<16384xf32, #tpu.memory_space<vmem_shared>>)
      tpu.yield
    }) : () -> ()
    %run_scoped3A_63 = arith.constant 5 : i32
    "tpu.region"() ({
      %run_scoped3A_168 = tpu.sem_alloc : memref<!tpu.dma_semaphore, #tpu.memory_space<semaphore_mem>>
      %dma_start3A = arith.constant 0 : i32
      %dma_start3A_169 = tpu.memref_slice %arg5[%run_scoped3A_63, %dma_start3A] : memref<8x128xi32, #tpu.memory_space<vmem>> -> memref<1x128xi32, #tpu.memory_space<vmem>>
      %dma_start3A_170 = tpu.memref_squeeze %dma_start3A_169 : memref<1x128xi32, #tpu.memory_space<vmem>> -> memref<128xi32, #tpu.memory_space<vmem>>
      %dma_start3A_171 = arith.constant 0 : i32
      %dma_start3A_172 = tpu.memref_slice %arg11[%dma_start3A_171] : memref<16384xf32, #tpu.memory_space<vmem_shared>> -> memref<16384xf32, #tpu.memory_space<vmem_shared>>
      tpu.enqueue_indirect_dma source(%arg8 : memref<128xf32, #tpu.memory_space<vmem>>) target(%dma_start3A_172 : memref<16384xf32, #tpu.memory_space<vmem_shared>>) offsets(%dma_start3A_170 : memref<128xi32, #tpu.memory_space<vmem>>) semaphore(%run_scoped3A_168 : memref<!tpu.dma_semaphore, #tpu.memory_space<semaphore_mem>>) {add = true}
      %dma_wait3A = arith.constant 0 : i32
      %dma_wait3A_173 = tpu.memref_slice %arg5[%run_scoped3A_63, %dma_wait3A] : memref<8x128xi32, #tpu.memory_space<vmem>> -> memref<1x128xi32, #tpu.memory_space<vmem>>
      %dma_wait3A_174 = tpu.memref_squeeze %dma_wait3A_173 : memref<1x128xi32, #tpu.memory_space<vmem>> -> memref<128xi32, #tpu.memory_space<vmem>>
      %dma_wait3A_175 = arith.constant 0 : i32
      %dma_wait3A_176 = tpu.memref_slice %arg11[%dma_wait3A_175] : memref<16384xf32, #tpu.memory_space<vmem_shared>> -> memref<16384xf32, #tpu.memory_space<vmem_shared>>
      tpu.wait_indirect_dma semaphore(%run_scoped3A_168 : memref<!tpu.dma_semaphore, #tpu.memory_space<semaphore_mem>>) src(%arg8 : memref<128xf32, #tpu.memory_space<vmem>>) dst(%dma_wait3A_176 : memref<16384xf32, #tpu.memory_space<vmem_shared>>)
      tpu.yield
    }) : () -> ()
    %run_scoped3A_64 = arith.constant 6 : i32
    "tpu.region"() ({
      %run_scoped3A_168 = tpu.sem_alloc : memref<!tpu.dma_semaphore, #tpu.memory_space<semaphore_mem>>
      %dma_start3A = arith.constant 0 : i32
      %dma_start3A_169 = tpu.memref_slice %arg5[%run_scoped3A_64, %dma_start3A] : memref<8x128xi32, #tpu.memory_space<vmem>> -> memref<1x128xi32, #tpu.memory_space<vmem>>
      %dma_start3A_170 = tpu.memref_squeeze %dma_start3A_169 : memref<1x128xi32, #tpu.memory_space<vmem>> -> memref<128xi32, #tpu.memory_space<vmem>>
      %dma_start3A_171 = arith.constant 0 : i32
      %dma_start3A_172 = tpu.memref_slice %arg11[%dma_start3A_171] : memref<16384xf32, #tpu.memory_space<vmem_shared>> -> memref<16384xf32, #tpu.memory_space<vmem_shared>>
      tpu.enqueue_indirect_dma source(%arg8 : memref<128xf32, #tpu.memory_space<vmem>>) target(%dma_start3A_172 : memref<16384xf32, #tpu.memory_space<vmem_shared>>) offsets(%dma_start3A_170 : memref<128xi32, #tpu.memory_space<vmem>>) semaphore(%run_scoped3A_168 : memref<!tpu.dma_semaphore, #tpu.memory_space<semaphore_mem>>) {add = true}
      %dma_wait3A = arith.constant 0 : i32
      %dma_wait3A_173 = tpu.memref_slice %arg5[%run_scoped3A_64, %dma_wait3A] : memref<8x128xi32, #tpu.memory_space<vmem>> -> memref<1x128xi32, #tpu.memory_space<vmem>>
      %dma_wait3A_174 = tpu.memref_squeeze %dma_wait3A_173 : memref<1x128xi32, #tpu.memory_space<vmem>> -> memref<128xi32, #tpu.memory_space<vmem>>
      %dma_wait3A_175 = arith.constant 0 : i32
      %dma_wait3A_176 = tpu.memref_slice %arg11[%dma_wait3A_175] : memref<16384xf32, #tpu.memory_space<vmem_shared>> -> memref<16384xf32, #tpu.memory_space<vmem_shared>>
      tpu.wait_indirect_dma semaphore(%run_scoped3A_168 : memref<!tpu.dma_semaphore, #tpu.memory_space<semaphore_mem>>) src(%arg8 : memref<128xf32, #tpu.memory_space<vmem>>) dst(%dma_wait3A_176 : memref<16384xf32, #tpu.memory_space<vmem_shared>>)
      tpu.yield
    }) : () -> ()
    %run_scoped3A_65 = arith.constant 7 : i32
    "tpu.region"() ({
      %run_scoped3A_168 = tpu.sem_alloc : memref<!tpu.dma_semaphore, #tpu.memory_space<semaphore_mem>>
      %dma_start3A = arith.constant 0 : i32
      %dma_start3A_169 = tpu.memref_slice %arg5[%run_scoped3A_65, %dma_start3A] : memref<8x128xi32, #tpu.memory_space<vmem>> -> memref<1x128xi32, #tpu.memory_space<vmem>>
      %dma_start3A_170 = tpu.memref_squeeze %dma_start3A_169 : memref<1x128xi32, #tpu.memory_space<vmem>> -> memref<128xi32, #tpu.memory_space<vmem>>
      %dma_start3A_171 = arith.constant 0 : i32
      %dma_start3A_172 = tpu.memref_slice %arg11[%dma_start3A_171] : memref<16384xf32, #tpu.memory_space<vmem_shared>> -> memref<16384xf32, #tpu.memory_space<vmem_shared>>
      tpu.enqueue_indirect_dma source(%arg8 : memref<128xf32, #tpu.memory_space<vmem>>) target(%dma_start3A_172 : memref<16384xf32, #tpu.memory_space<vmem_shared>>) offsets(%dma_start3A_170 : memref<128xi32, #tpu.memory_space<vmem>>) semaphore(%run_scoped3A_168 : memref<!tpu.dma_semaphore, #tpu.memory_space<semaphore_mem>>) {add = true}
      %dma_wait3A = arith.constant 0 : i32
      %dma_wait3A_173 = tpu.memref_slice %arg5[%run_scoped3A_65, %dma_wait3A] : memref<8x128xi32, #tpu.memory_space<vmem>> -> memref<1x128xi32, #tpu.memory_space<vmem>>
      %dma_wait3A_174 = tpu.memref_squeeze %dma_wait3A_173 : memref<1x128xi32, #tpu.memory_space<vmem>> -> memref<128xi32, #tpu.memory_space<vmem>>
      %dma_wait3A_175 = arith.constant 0 : i32
      %dma_wait3A_176 = tpu.memref_slice %arg11[%dma_wait3A_175] : memref<16384xf32, #tpu.memory_space<vmem_shared>> -> memref<16384xf32, #tpu.memory_space<vmem_shared>>
      tpu.wait_indirect_dma semaphore(%run_scoped3A_168 : memref<!tpu.dma_semaphore, #tpu.memory_space<semaphore_mem>>) src(%arg8 : memref<128xf32, #tpu.memory_space<vmem>>) dst(%dma_wait3A_176 : memref<16384xf32, #tpu.memory_space<vmem_shared>>)
      tpu.yield
    }) : () -> ()
    %barrier3A_66 = arith.constant 0 : index
    tpu.barrier barrier_id(%barrier3A_66)
    "tpu.region"() ({
      %run_scoped3A_168 = tpu.sem_alloc : memref<!tpu.dma_semaphore, #tpu.memory_space<semaphore_mem>>
      tpu.enqueue_dma source(%arg11 : memref<16384xf32, #tpu.memory_space<vmem_shared>>) target(%arg9 : memref<16384xf32, #tpu.memory_space<vmem>>) target_semaphore(%run_scoped3A_168 : memref<!tpu.dma_semaphore, #tpu.memory_space<semaphore_mem>>)
      tpu.wait_dma2 semaphore(%run_scoped3A_168 : memref<!tpu.dma_semaphore, #tpu.memory_space<semaphore_mem>>) src(%arg11 : memref<16384xf32, #tpu.memory_space<vmem_shared>>) dst(%arg9 : memref<16384xf32, #tpu.memory_space<vmem>>)
      tpu.yield
    }) : () -> ()
    %broadcast_in_dim3A = arith.constant 0.000000e+00 : f32
    %broadcast_in_dim3A_67 = vector.broadcast %broadcast_in_dim3A : f32 to vector<16xf32>
    %while3A_68 = arith.constant 0 : i32
    %while3A_69 = arith.constant 8 : i32
    %while3A_70 = arith.subi %while3A_69, %while3A_68 : i32
    %while3A_71 = arith.addi %while3A_68, %while3A_70 : i32
    %while3A_72 = arith.constant 1 : i32
    %while3A_73 = arith.divsi %while3A_70, %while3A_72 : i32
    %while3A_74 = arith.muli %while3A_73, %while3A_72 : i32
    %while3A_75 = arith.addi %while3A_68, %while3A_74 : i32
    %while3A_76 = arith.constant 1 : i32
    %while3A_77 = scf.for %while3A_168 = %while3A_68 to %while3A_75 step %while3A_76 iter_args(%while3A_169 = %broadcast_in_dim3A_67) -> (vector<16xf32>)  : i32 {
      %mul3A_170 = arith.constant 16 : i32
      %mul3A_171 = arith.muli %while3A_168, %mul3A_170 : i32
      %get3A = arith.constant 0 : i32
      %get3A_172 = arith.index_cast %get3A : i32 to index
      %get3A_173 = arith.index_cast %mul3A_171 : i32 to index
      %get3A_174 = tpu.vector_load %arg5[%get3A_172, %get3A_173] {strides = array<i32>} : memref<8x128xi32, #tpu.memory_space<vmem>>, vector<16xi32>,
      %mul3A_175 = arith.constant 16 : i32
      %mul3A_176 = arith.muli %while3A_168, %mul3A_175 : i32
      %add3A_177 = arith.constant 0 : i32
      %add3A_178 = arith.addi %add3A_177, %mul3A_176 : i32
      %get3A_179 = arith.index_cast %add3A_178 : i32 to index
      %get3A_180 = tpu.vector_load %arg6[%get3A_179] {strides = array<i32>} : memref<1024xf32, #tpu.memory_space<vmem>>, vector<16xf32>,
      %gather3A = tpu.vector_load_idx %arg9[%get3A_174] : memref<16384xf32, #tpu.memory_space<vmem>>[vector<16xi32>], vector<16xf32>,
      %add3A_181 = arith.constant 9.99999997E-7 : f32
      %add3A_182 = vector.broadcast %add3A_181 : f32 to vector<16xf32>
      %add3A_183 = arith.addf %gather3A, %add3A_182 : vector<16xf32>
      %div3A_184 = arith.divf %get3A_180, %add3A_183 : vector<16xf32>
      %add3A_185 = arith.addf %while3A_169, %div3A_184 : vector<16xf32>
      scf.yield %add3A_185 : vector<16xf32>
    }
    %while3A_78 = arith.constant 1 : i32
    %while3A_79 = scf.for %while3A_168 = %while3A_75 to %while3A_71 step %while3A_78 iter_args(%while3A_169 = %while3A_77) -> (vector<16xf32>)  : i32 {
      %mul3A_170 = arith.constant 16 : i32
      %mul3A_171 = arith.muli %while3A_168, %mul3A_170 : i32
      %get3A = arith.constant 0 : i32
      %get3A_172 = arith.index_cast %get3A : i32 to index
      %get3A_173 = arith.index_cast %mul3A_171 : i32 to index
      %get3A_174 = tpu.vector_load %arg5[%get3A_172, %get3A_173] {strides = array<i32>} : memref<8x128xi32, #tpu.memory_space<vmem>>, vector<16xi32>,
      %mul3A_175 = arith.constant 16 : i32
      %mul3A_176 = arith.muli %while3A_168, %mul3A_175 : i32
      %add3A_177 = arith.constant 0 : i32
      %add3A_178 = arith.addi %add3A_177, %mul3A_176 : i32
      %get3A_179 = arith.index_cast %add3A_178 : i32 to index
      %get3A_180 = tpu.vector_load %arg6[%get3A_179] {strides = array<i32>} : memref<1024xf32, #tpu.memory_space<vmem>>, vector<16xf32>,
      %gather3A = tpu.vector_load_idx %arg9[%get3A_174] : memref<16384xf32, #tpu.memory_space<vmem>>[vector<16xi32>], vector<16xf32>,
      %add3A_181 = arith.constant 9.99999997E-7 : f32
      %add3A_182 = vector.broadcast %add3A_181 : f32 to vector<16xf32>
      %add3A_183 = arith.addf %gather3A, %add3A_182 : vector<16xf32>
      %div3A_184 = arith.divf %get3A_180, %add3A_183 : vector<16xf32>
      %add3A_185 = arith.addf %while3A_169, %div3A_184 : vector<16xf32>
      scf.yield %add3A_185 : vector<16xf32>
    }
    %while3A_80 = arith.constant 0 : i32
    %while3A_81 = arith.constant 8 : i32
    %while3A_82 = arith.subi %while3A_81, %while3A_80 : i32
    %while3A_83 = arith.addi %while3A_80, %while3A_82 : i32
    %while3A_84 = arith.constant 1 : i32
    %while3A_85 = arith.divsi %while3A_82, %while3A_84 : i32
    %while3A_86 = arith.muli %while3A_85, %while3A_84 : i32
    %while3A_87 = arith.addi %while3A_80, %while3A_86 : i32
    %while3A_88 = arith.constant 1 : i32
    %while3A_89 = scf.for %while3A_168 = %while3A_80 to %while3A_87 step %while3A_88 iter_args(%while3A_169 = %while3A_79) -> (vector<16xf32>)  : i32 {
      %mul3A_170 = arith.constant 16 : i32
      %mul3A_171 = arith.muli %while3A_168, %mul3A_170 : i32
      %get3A = arith.constant 1 : i32
      %get3A_172 = arith.index_cast %get3A : i32 to index
      %get3A_173 = arith.index_cast %mul3A_171 : i32 to index
      %get3A_174 = tpu.vector_load %arg5[%get3A_172, %get3A_173] {strides = array<i32>} : memref<8x128xi32, #tpu.memory_space<vmem>>, vector<16xi32>,
      %mul3A_175 = arith.constant 16 : i32
      %mul3A_176 = arith.muli %while3A_168, %mul3A_175 : i32
      %add3A_177 = arith.constant 128 : i32
      %add3A_178 = arith.addi %add3A_177, %mul3A_176 : i32
      %get3A_179 = arith.index_cast %add3A_178 : i32 to index
      %get3A_180 = tpu.vector_load %arg6[%get3A_179] {strides = array<i32>} : memref<1024xf32, #tpu.memory_space<vmem>>, vector<16xf32>,
      %gather3A = tpu.vector_load_idx %arg9[%get3A_174] : memref<16384xf32, #tpu.memory_space<vmem>>[vector<16xi32>], vector<16xf32>,
      %add3A_181 = arith.constant 9.99999997E-7 : f32
      %add3A_182 = vector.broadcast %add3A_181 : f32 to vector<16xf32>
      %add3A_183 = arith.addf %gather3A, %add3A_182 : vector<16xf32>
      %div3A_184 = arith.divf %get3A_180, %add3A_183 : vector<16xf32>
      %add3A_185 = arith.addf %while3A_169, %div3A_184 : vector<16xf32>
      scf.yield %add3A_185 : vector<16xf32>
    }
    %while3A_90 = arith.constant 1 : i32
    %while3A_91 = scf.for %while3A_168 = %while3A_87 to %while3A_83 step %while3A_90 iter_args(%while3A_169 = %while3A_89) -> (vector<16xf32>)  : i32 {
      %mul3A_170 = arith.constant 16 : i32
      %mul3A_171 = arith.muli %while3A_168, %mul3A_170 : i32
      %get3A = arith.constant 1 : i32
      %get3A_172 = arith.index_cast %get3A : i32 to index
      %get3A_173 = arith.index_cast %mul3A_171 : i32 to index
      %get3A_174 = tpu.vector_load %arg5[%get3A_172, %get3A_173] {strides = array<i32>} : memref<8x128xi32, #tpu.memory_space<vmem>>, vector<16xi32>,
      %mul3A_175 = arith.constant 16 : i32
      %mul3A_176 = arith.muli %while3A_168, %mul3A_175 : i32
      %add3A_177 = arith.constant 128 : i32
      %add3A_178 = arith.addi %add3A_177, %mul3A_176 : i32
      %get3A_179 = arith.index_cast %add3A_178 : i32 to index
      %get3A_180 = tpu.vector_load %arg6[%get3A_179] {strides = array<i32>} : memref<1024xf32, #tpu.memory_space<vmem>>, vector<16xf32>,
      %gather3A = tpu.vector_load_idx %arg9[%get3A_174] : memref<16384xf32, #tpu.memory_space<vmem>>[vector<16xi32>], vector<16xf32>,
      %add3A_181 = arith.constant 9.99999997E-7 : f32
      %add3A_182 = vector.broadcast %add3A_181 : f32 to vector<16xf32>
      %add3A_183 = arith.addf %gather3A, %add3A_182 : vector<16xf32>
      %div3A_184 = arith.divf %get3A_180, %add3A_183 : vector<16xf32>
      %add3A_185 = arith.addf %while3A_169, %div3A_184 : vector<16xf32>
      scf.yield %add3A_185 : vector<16xf32>
    }
    %while3A_92 = arith.constant 0 : i32
    %while3A_93 = arith.constant 8 : i32
    %while3A_94 = arith.subi %while3A_93, %while3A_92 : i32
    %while3A_95 = arith.addi %while3A_92, %while3A_94 : i32
    %while3A_96 = arith.constant 1 : i32
    %while3A_97 = arith.divsi %while3A_94, %while3A_96 : i32
    %while3A_98 = arith.muli %while3A_97, %while3A_96 : i32
    %while3A_99 = arith.addi %while3A_92, %while3A_98 : i32
    %while3A_100 = arith.constant 1 : i32
    %while3A_101 = scf.for %while3A_168 = %while3A_92 to %while3A_99 step %while3A_100 iter_args(%while3A_169 = %while3A_91) -> (vector<16xf32>)  : i32 {
      %mul3A_170 = arith.constant 16 : i32
      %mul3A_171 = arith.muli %while3A_168, %mul3A_170 : i32
      %get3A = arith.constant 2 : i32
      %get3A_172 = arith.index_cast %get3A : i32 to index
      %get3A_173 = arith.index_cast %mul3A_171 : i32 to index
      %get3A_174 = tpu.vector_load %arg5[%get3A_172, %get3A_173] {strides = array<i32>} : memref<8x128xi32, #tpu.memory_space<vmem>>, vector<16xi32>,
      %mul3A_175 = arith.constant 16 : i32
      %mul3A_176 = arith.muli %while3A_168, %mul3A_175 : i32
      %add3A_177 = arith.constant 256 : i32
      %add3A_178 = arith.addi %add3A_177, %mul3A_176 : i32
      %get3A_179 = arith.index_cast %add3A_178 : i32 to index
      %get3A_180 = tpu.vector_load %arg6[%get3A_179] {strides = array<i32>} : memref<1024xf32, #tpu.memory_space<vmem>>, vector<16xf32>,
      %gather3A = tpu.vector_load_idx %arg9[%get3A_174] : memref<16384xf32, #tpu.memory_space<vmem>>[vector<16xi32>], vector<16xf32>,
      %add3A_181 = arith.constant 9.99999997E-7 : f32
      %add3A_182 = vector.broadcast %add3A_181 : f32 to vector<16xf32>
      %add3A_183 = arith.addf %gather3A, %add3A_182 : vector<16xf32>
      %div3A_184 = arith.divf %get3A_180, %add3A_183 : vector<16xf32>
      %add3A_185 = arith.addf %while3A_169, %div3A_184 : vector<16xf32>
      scf.yield %add3A_185 : vector<16xf32>
    }
    %while3A_102 = arith.constant 1 : i32
    %while3A_103 = scf.for %while3A_168 = %while3A_99 to %while3A_95 step %while3A_102 iter_args(%while3A_169 = %while3A_101) -> (vector<16xf32>)  : i32 {
      %mul3A_170 = arith.constant 16 : i32
      %mul3A_171 = arith.muli %while3A_168, %mul3A_170 : i32
      %get3A = arith.constant 2 : i32
      %get3A_172 = arith.index_cast %get3A : i32 to index
      %get3A_173 = arith.index_cast %mul3A_171 : i32 to index
      %get3A_174 = tpu.vector_load %arg5[%get3A_172, %get3A_173] {strides = array<i32>} : memref<8x128xi32, #tpu.memory_space<vmem>>, vector<16xi32>,
      %mul3A_175 = arith.constant 16 : i32
      %mul3A_176 = arith.muli %while3A_168, %mul3A_175 : i32
      %add3A_177 = arith.constant 256 : i32
      %add3A_178 = arith.addi %add3A_177, %mul3A_176 : i32
      %get3A_179 = arith.index_cast %add3A_178 : i32 to index
      %get3A_180 = tpu.vector_load %arg6[%get3A_179] {strides = array<i32>} : memref<1024xf32, #tpu.memory_space<vmem>>, vector<16xf32>,
      %gather3A = tpu.vector_load_idx %arg9[%get3A_174] : memref<16384xf32, #tpu.memory_space<vmem>>[vector<16xi32>], vector<16xf32>,
      %add3A_181 = arith.constant 9.99999997E-7 : f32
      %add3A_182 = vector.broadcast %add3A_181 : f32 to vector<16xf32>
      %add3A_183 = arith.addf %gather3A, %add3A_182 : vector<16xf32>
      %div3A_184 = arith.divf %get3A_180, %add3A_183 : vector<16xf32>
      %add3A_185 = arith.addf %while3A_169, %div3A_184 : vector<16xf32>
      scf.yield %add3A_185 : vector<16xf32>
    }
    %while3A_104 = arith.constant 0 : i32
    %while3A_105 = arith.constant 8 : i32
    %while3A_106 = arith.subi %while3A_105, %while3A_104 : i32
    %while3A_107 = arith.addi %while3A_104, %while3A_106 : i32
    %while3A_108 = arith.constant 1 : i32
    %while3A_109 = arith.divsi %while3A_106, %while3A_108 : i32
    %while3A_110 = arith.muli %while3A_109, %while3A_108 : i32
    %while3A_111 = arith.addi %while3A_104, %while3A_110 : i32
    %while3A_112 = arith.constant 1 : i32
    %while3A_113 = scf.for %while3A_168 = %while3A_104 to %while3A_111 step %while3A_112 iter_args(%while3A_169 = %while3A_103) -> (vector<16xf32>)  : i32 {
      %mul3A_170 = arith.constant 16 : i32
      %mul3A_171 = arith.muli %while3A_168, %mul3A_170 : i32
      %get3A = arith.constant 3 : i32
      %get3A_172 = arith.index_cast %get3A : i32 to index
      %get3A_173 = arith.index_cast %mul3A_171 : i32 to index
      %get3A_174 = tpu.vector_load %arg5[%get3A_172, %get3A_173] {strides = array<i32>} : memref<8x128xi32, #tpu.memory_space<vmem>>, vector<16xi32>,
      %mul3A_175 = arith.constant 16 : i32
      %mul3A_176 = arith.muli %while3A_168, %mul3A_175 : i32
      %add3A_177 = arith.constant 384 : i32
      %add3A_178 = arith.addi %add3A_177, %mul3A_176 : i32
      %get3A_179 = arith.index_cast %add3A_178 : i32 to index
      %get3A_180 = tpu.vector_load %arg6[%get3A_179] {strides = array<i32>} : memref<1024xf32, #tpu.memory_space<vmem>>, vector<16xf32>,
      %gather3A = tpu.vector_load_idx %arg9[%get3A_174] : memref<16384xf32, #tpu.memory_space<vmem>>[vector<16xi32>], vector<16xf32>,
      %add3A_181 = arith.constant 9.99999997E-7 : f32
      %add3A_182 = vector.broadcast %add3A_181 : f32 to vector<16xf32>
      %add3A_183 = arith.addf %gather3A, %add3A_182 : vector<16xf32>
      %div3A_184 = arith.divf %get3A_180, %add3A_183 : vector<16xf32>
      %add3A_185 = arith.addf %while3A_169, %div3A_184 : vector<16xf32>
      scf.yield %add3A_185 : vector<16xf32>
    }
    %while3A_114 = arith.constant 1 : i32
    %while3A_115 = scf.for %while3A_168 = %while3A_111 to %while3A_107 step %while3A_114 iter_args(%while3A_169 = %while3A_113) -> (vector<16xf32>)  : i32 {
      %mul3A_170 = arith.constant 16 : i32
      %mul3A_171 = arith.muli %while3A_168, %mul3A_170 : i32
      %get3A = arith.constant 3 : i32
      %get3A_172 = arith.index_cast %get3A : i32 to index
      %get3A_173 = arith.index_cast %mul3A_171 : i32 to index
      %get3A_174 = tpu.vector_load %arg5[%get3A_172, %get3A_173] {strides = array<i32>} : memref<8x128xi32, #tpu.memory_space<vmem>>, vector<16xi32>,
      %mul3A_175 = arith.constant 16 : i32
      %mul3A_176 = arith.muli %while3A_168, %mul3A_175 : i32
      %add3A_177 = arith.constant 384 : i32
      %add3A_178 = arith.addi %add3A_177, %mul3A_176 : i32
      %get3A_179 = arith.index_cast %add3A_178 : i32 to index
      %get3A_180 = tpu.vector_load %arg6[%get3A_179] {strides = array<i32>} : memref<1024xf32, #tpu.memory_space<vmem>>, vector<16xf32>,
      %gather3A = tpu.vector_load_idx %arg9[%get3A_174] : memref<16384xf32, #tpu.memory_space<vmem>>[vector<16xi32>], vector<16xf32>,
      %add3A_181 = arith.constant 9.99999997E-7 : f32
      %add3A_182 = vector.broadcast %add3A_181 : f32 to vector<16xf32>
      %add3A_183 = arith.addf %gather3A, %add3A_182 : vector<16xf32>
      %div3A_184 = arith.divf %get3A_180, %add3A_183 : vector<16xf32>
      %add3A_185 = arith.addf %while3A_169, %div3A_184 : vector<16xf32>
      scf.yield %add3A_185 : vector<16xf32>
    }
    %while3A_116 = arith.constant 0 : i32
    %while3A_117 = arith.constant 8 : i32
    %while3A_118 = arith.subi %while3A_117, %while3A_116 : i32
    %while3A_119 = arith.addi %while3A_116, %while3A_118 : i32
    %while3A_120 = arith.constant 1 : i32
    %while3A_121 = arith.divsi %while3A_118, %while3A_120 : i32
    %while3A_122 = arith.muli %while3A_121, %while3A_120 : i32
    %while3A_123 = arith.addi %while3A_116, %while3A_122 : i32
    %while3A_124 = arith.constant 1 : i32
    %while3A_125 = scf.for %while3A_168 = %while3A_116 to %while3A_123 step %while3A_124 iter_args(%while3A_169 = %while3A_115) -> (vector<16xf32>)  : i32 {
      %mul3A_170 = arith.constant 16 : i32
      %mul3A_171 = arith.muli %while3A_168, %mul3A_170 : i32
      %get3A = arith.constant 4 : i32
      %get3A_172 = arith.index_cast %get3A : i32 to index
      %get3A_173 = arith.index_cast %mul3A_171 : i32 to index
      %get3A_174 = tpu.vector_load %arg5[%get3A_172, %get3A_173] {strides = array<i32>} : memref<8x128xi32, #tpu.memory_space<vmem>>, vector<16xi32>,
      %mul3A_175 = arith.constant 16 : i32
      %mul3A_176 = arith.muli %while3A_168, %mul3A_175 : i32
      %add3A_177 = arith.constant 512 : i32
      %add3A_178 = arith.addi %add3A_177, %mul3A_176 : i32
      %get3A_179 = arith.index_cast %add3A_178 : i32 to index
      %get3A_180 = tpu.vector_load %arg6[%get3A_179] {strides = array<i32>} : memref<1024xf32, #tpu.memory_space<vmem>>, vector<16xf32>,
      %gather3A = tpu.vector_load_idx %arg9[%get3A_174] : memref<16384xf32, #tpu.memory_space<vmem>>[vector<16xi32>], vector<16xf32>,
      %add3A_181 = arith.constant 9.99999997E-7 : f32
      %add3A_182 = vector.broadcast %add3A_181 : f32 to vector<16xf32>
      %add3A_183 = arith.addf %gather3A, %add3A_182 : vector<16xf32>
      %div3A_184 = arith.divf %get3A_180, %add3A_183 : vector<16xf32>
      %add3A_185 = arith.addf %while3A_169, %div3A_184 : vector<16xf32>
      scf.yield %add3A_185 : vector<16xf32>
    }
    %while3A_126 = arith.constant 1 : i32
    %while3A_127 = scf.for %while3A_168 = %while3A_123 to %while3A_119 step %while3A_126 iter_args(%while3A_169 = %while3A_125) -> (vector<16xf32>)  : i32 {
      %mul3A_170 = arith.constant 16 : i32
      %mul3A_171 = arith.muli %while3A_168, %mul3A_170 : i32
      %get3A = arith.constant 4 : i32
      %get3A_172 = arith.index_cast %get3A : i32 to index
      %get3A_173 = arith.index_cast %mul3A_171 : i32 to index
      %get3A_174 = tpu.vector_load %arg5[%get3A_172, %get3A_173] {strides = array<i32>} : memref<8x128xi32, #tpu.memory_space<vmem>>, vector<16xi32>,
      %mul3A_175 = arith.constant 16 : i32
      %mul3A_176 = arith.muli %while3A_168, %mul3A_175 : i32
      %add3A_177 = arith.constant 512 : i32
      %add3A_178 = arith.addi %add3A_177, %mul3A_176 : i32
      %get3A_179 = arith.index_cast %add3A_178 : i32 to index
      %get3A_180 = tpu.vector_load %arg6[%get3A_179] {strides = array<i32>} : memref<1024xf32, #tpu.memory_space<vmem>>, vector<16xf32>,
      %gather3A = tpu.vector_load_idx %arg9[%get3A_174] : memref<16384xf32, #tpu.memory_space<vmem>>[vector<16xi32>], vector<16xf32>,
      %add3A_181 = arith.constant 9.99999997E-7 : f32
      %add3A_182 = vector.broadcast %add3A_181 : f32 to vector<16xf32>
      %add3A_183 = arith.addf %gather3A, %add3A_182 : vector<16xf32>
      %div3A_184 = arith.divf %get3A_180, %add3A_183 : vector<16xf32>
      %add3A_185 = arith.addf %while3A_169, %div3A_184 : vector<16xf32>
      scf.yield %add3A_185 : vector<16xf32>
    }
    %while3A_128 = arith.constant 0 : i32
    %while3A_129 = arith.constant 8 : i32
    %while3A_130 = arith.subi %while3A_129, %while3A_128 : i32
    %while3A_131 = arith.addi %while3A_128, %while3A_130 : i32
    %while3A_132 = arith.constant 1 : i32
    %while3A_133 = arith.divsi %while3A_130, %while3A_132 : i32
    %while3A_134 = arith.muli %while3A_133, %while3A_132 : i32
    %while3A_135 = arith.addi %while3A_128, %while3A_134 : i32
    %while3A_136 = arith.constant 1 : i32
    %while3A_137 = scf.for %while3A_168 = %while3A_128 to %while3A_135 step %while3A_136 iter_args(%while3A_169 = %while3A_127) -> (vector<16xf32>)  : i32 {
      %mul3A_170 = arith.constant 16 : i32
      %mul3A_171 = arith.muli %while3A_168, %mul3A_170 : i32
      %get3A = arith.constant 5 : i32
      %get3A_172 = arith.index_cast %get3A : i32 to index
      %get3A_173 = arith.index_cast %mul3A_171 : i32 to index
      %get3A_174 = tpu.vector_load %arg5[%get3A_172, %get3A_173] {strides = array<i32>} : memref<8x128xi32, #tpu.memory_space<vmem>>, vector<16xi32>,
      %mul3A_175 = arith.constant 16 : i32
      %mul3A_176 = arith.muli %while3A_168, %mul3A_175 : i32
      %add3A_177 = arith.constant 640 : i32
      %add3A_178 = arith.addi %add3A_177, %mul3A_176 : i32
      %get3A_179 = arith.index_cast %add3A_178 : i32 to index
      %get3A_180 = tpu.vector_load %arg6[%get3A_179] {strides = array<i32>} : memref<1024xf32, #tpu.memory_space<vmem>>, vector<16xf32>,
      %gather3A = tpu.vector_load_idx %arg9[%get3A_174] : memref<16384xf32, #tpu.memory_space<vmem>>[vector<16xi32>], vector<16xf32>,
      %add3A_181 = arith.constant 9.99999997E-7 : f32
      %add3A_182 = vector.broadcast %add3A_181 : f32 to vector<16xf32>
      %add3A_183 = arith.addf %gather3A, %add3A_182 : vector<16xf32>
      %div3A_184 = arith.divf %get3A_180, %add3A_183 : vector<16xf32>
      %add3A_185 = arith.addf %while3A_169, %div3A_184 : vector<16xf32>
      scf.yield %add3A_185 : vector<16xf32>
    }
    %while3A_138 = arith.constant 1 : i32
    %while3A_139 = scf.for %while3A_168 = %while3A_135 to %while3A_131 step %while3A_138 iter_args(%while3A_169 = %while3A_137) -> (vector<16xf32>)  : i32 {
      %mul3A_170 = arith.constant 16 : i32
      %mul3A_171 = arith.muli %while3A_168, %mul3A_170 : i32
      %get3A = arith.constant 5 : i32
      %get3A_172 = arith.index_cast %get3A : i32 to index
      %get3A_173 = arith.index_cast %mul3A_171 : i32 to index
      %get3A_174 = tpu.vector_load %arg5[%get3A_172, %get3A_173] {strides = array<i32>} : memref<8x128xi32, #tpu.memory_space<vmem>>, vector<16xi32>,
      %mul3A_175 = arith.constant 16 : i32
      %mul3A_176 = arith.muli %while3A_168, %mul3A_175 : i32
      %add3A_177 = arith.constant 640 : i32
      %add3A_178 = arith.addi %add3A_177, %mul3A_176 : i32
      %get3A_179 = arith.index_cast %add3A_178 : i32 to index
      %get3A_180 = tpu.vector_load %arg6[%get3A_179] {strides = array<i32>} : memref<1024xf32, #tpu.memory_space<vmem>>, vector<16xf32>,
      %gather3A = tpu.vector_load_idx %arg9[%get3A_174] : memref<16384xf32, #tpu.memory_space<vmem>>[vector<16xi32>], vector<16xf32>,
      %add3A_181 = arith.constant 9.99999997E-7 : f32
      %add3A_182 = vector.broadcast %add3A_181 : f32 to vector<16xf32>
      %add3A_183 = arith.addf %gather3A, %add3A_182 : vector<16xf32>
      %div3A_184 = arith.divf %get3A_180, %add3A_183 : vector<16xf32>
      %add3A_185 = arith.addf %while3A_169, %div3A_184 : vector<16xf32>
      scf.yield %add3A_185 : vector<16xf32>
    }
    %while3A_140 = arith.constant 0 : i32
    %while3A_141 = arith.constant 8 : i32
    %while3A_142 = arith.subi %while3A_141, %while3A_140 : i32
    %while3A_143 = arith.addi %while3A_140, %while3A_142 : i32
    %while3A_144 = arith.constant 1 : i32
    %while3A_145 = arith.divsi %while3A_142, %while3A_144 : i32
    %while3A_146 = arith.muli %while3A_145, %while3A_144 : i32
    %while3A_147 = arith.addi %while3A_140, %while3A_146 : i32
    %while3A_148 = arith.constant 1 : i32
    %while3A_149 = scf.for %while3A_168 = %while3A_140 to %while3A_147 step %while3A_148 iter_args(%while3A_169 = %while3A_139) -> (vector<16xf32>)  : i32 {
      %mul3A_170 = arith.constant 16 : i32
      %mul3A_171 = arith.muli %while3A_168, %mul3A_170 : i32
      %get3A = arith.constant 6 : i32
      %get3A_172 = arith.index_cast %get3A : i32 to index
      %get3A_173 = arith.index_cast %mul3A_171 : i32 to index
      %get3A_174 = tpu.vector_load %arg5[%get3A_172, %get3A_173] {strides = array<i32>} : memref<8x128xi32, #tpu.memory_space<vmem>>, vector<16xi32>,
      %mul3A_175 = arith.constant 16 : i32
      %mul3A_176 = arith.muli %while3A_168, %mul3A_175 : i32
      %add3A_177 = arith.constant 768 : i32
      %add3A_178 = arith.addi %add3A_177, %mul3A_176 : i32
      %get3A_179 = arith.index_cast %add3A_178 : i32 to index
      %get3A_180 = tpu.vector_load %arg6[%get3A_179] {strides = array<i32>} : memref<1024xf32, #tpu.memory_space<vmem>>, vector<16xf32>,
      %gather3A = tpu.vector_load_idx %arg9[%get3A_174] : memref<16384xf32, #tpu.memory_space<vmem>>[vector<16xi32>], vector<16xf32>,
      %add3A_181 = arith.constant 9.99999997E-7 : f32
      %add3A_182 = vector.broadcast %add3A_181 : f32 to vector<16xf32>
      %add3A_183 = arith.addf %gather3A, %add3A_182 : vector<16xf32>
      %div3A_184 = arith.divf %get3A_180, %add3A_183 : vector<16xf32>
      %add3A_185 = arith.addf %while3A_169, %div3A_184 : vector<16xf32>
      scf.yield %add3A_185 : vector<16xf32>
    }
    %while3A_150 = arith.constant 1 : i32
    %while3A_151 = scf.for %while3A_168 = %while3A_147 to %while3A_143 step %while3A_150 iter_args(%while3A_169 = %while3A_149) -> (vector<16xf32>)  : i32 {
      %mul3A_170 = arith.constant 16 : i32
      %mul3A_171 = arith.muli %while3A_168, %mul3A_170 : i32
      %get3A = arith.constant 6 : i32
      %get3A_172 = arith.index_cast %get3A : i32 to index
      %get3A_173 = arith.index_cast %mul3A_171 : i32 to index
      %get3A_174 = tpu.vector_load %arg5[%get3A_172, %get3A_173] {strides = array<i32>} : memref<8x128xi32, #tpu.memory_space<vmem>>, vector<16xi32>,
      %mul3A_175 = arith.constant 16 : i32
      %mul3A_176 = arith.muli %while3A_168, %mul3A_175 : i32
      %add3A_177 = arith.constant 768 : i32
      %add3A_178 = arith.addi %add3A_177, %mul3A_176 : i32
      %get3A_179 = arith.index_cast %add3A_178 : i32 to index
      %get3A_180 = tpu.vector_load %arg6[%get3A_179] {strides = array<i32>} : memref<1024xf32, #tpu.memory_space<vmem>>, vector<16xf32>,
      %gather3A = tpu.vector_load_idx %arg9[%get3A_174] : memref<16384xf32, #tpu.memory_space<vmem>>[vector<16xi32>], vector<16xf32>,
      %add3A_181 = arith.constant 9.99999997E-7 : f32
      %add3A_182 = vector.broadcast %add3A_181 : f32 to vector<16xf32>
      %add3A_183 = arith.addf %gather3A, %add3A_182 : vector<16xf32>
      %div3A_184 = arith.divf %get3A_180, %add3A_183 : vector<16xf32>
      %add3A_185 = arith.addf %while3A_169, %div3A_184 : vector<16xf32>
      scf.yield %add3A_185 : vector<16xf32>
    }
    %while3A_152 = arith.constant 0 : i32
    %while3A_153 = arith.constant 8 : i32
    %while3A_154 = arith.subi %while3A_153, %while3A_152 : i32
    %while3A_155 = arith.addi %while3A_152, %while3A_154 : i32
    %while3A_156 = arith.constant 1 : i32
    %while3A_157 = arith.divsi %while3A_154, %while3A_156 : i32
    %while3A_158 = arith.muli %while3A_157, %while3A_156 : i32
    %while3A_159 = arith.addi %while3A_152, %while3A_158 : i32
    %while3A_160 = arith.constant 1 : i32
    %while3A_161 = scf.for %while3A_168 = %while3A_152 to %while3A_159 step %while3A_160 iter_args(%while3A_169 = %while3A_151) -> (vector<16xf32>)  : i32 {
      %mul3A_170 = arith.constant 16 : i32
      %mul3A_171 = arith.muli %while3A_168, %mul3A_170 : i32
      %get3A = arith.constant 7 : i32
      %get3A_172 = arith.index_cast %get3A : i32 to index
      %get3A_173 = arith.index_cast %mul3A_171 : i32 to index
      %get3A_174 = tpu.vector_load %arg5[%get3A_172, %get3A_173] {strides = array<i32>} : memref<8x128xi32, #tpu.memory_space<vmem>>, vector<16xi32>,
      %mul3A_175 = arith.constant 16 : i32
      %mul3A_176 = arith.muli %while3A_168, %mul3A_175 : i32
      %add3A_177 = arith.constant 896 : i32
      %add3A_178 = arith.addi %add3A_177, %mul3A_176 : i32
      %get3A_179 = arith.index_cast %add3A_178 : i32 to index
      %get3A_180 = tpu.vector_load %arg6[%get3A_179] {strides = array<i32>} : memref<1024xf32, #tpu.memory_space<vmem>>, vector<16xf32>,
      %gather3A = tpu.vector_load_idx %arg9[%get3A_174] : memref<16384xf32, #tpu.memory_space<vmem>>[vector<16xi32>], vector<16xf32>,
      %add3A_181 = arith.constant 9.99999997E-7 : f32
      %add3A_182 = vector.broadcast %add3A_181 : f32 to vector<16xf32>
      %add3A_183 = arith.addf %gather3A, %add3A_182 : vector<16xf32>
      %div3A_184 = arith.divf %get3A_180, %add3A_183 : vector<16xf32>
      %add3A_185 = arith.addf %while3A_169, %div3A_184 : vector<16xf32>
      scf.yield %add3A_185 : vector<16xf32>
    }
    %while3A_162 = arith.constant 1 : i32
    %while3A_163 = scf.for %while3A_168 = %while3A_159 to %while3A_155 step %while3A_162 iter_args(%while3A_169 = %while3A_161) -> (vector<16xf32>)  : i32 {
      %mul3A_170 = arith.constant 16 : i32
      %mul3A_171 = arith.muli %while3A_168, %mul3A_170 : i32
      %get3A = arith.constant 7 : i32
      %get3A_172 = arith.index_cast %get3A : i32 to index
      %get3A_173 = arith.index_cast %mul3A_171 : i32 to index
      %get3A_174 = tpu.vector_load %arg5[%get3A_172, %get3A_173] {strides = array<i32>} : memref<8x128xi32, #tpu.memory_space<vmem>>, vector<16xi32>,
      %mul3A_175 = arith.constant 16 : i32
      %mul3A_176 = arith.muli %while3A_168, %mul3A_175 : i32
      %add3A_177 = arith.constant 896 : i32
      %add3A_178 = arith.addi %add3A_177, %mul3A_176 : i32
      %get3A_179 = arith.index_cast %add3A_178 : i32 to index
      %get3A_180 = tpu.vector_load %arg6[%get3A_179] {strides = array<i32>} : memref<1024xf32, #tpu.memory_space<vmem>>, vector<16xf32>,
      %gather3A = tpu.vector_load_idx %arg9[%get3A_174] : memref<16384xf32, #tpu.memory_space<vmem>>[vector<16xi32>], vector<16xf32>,
      %add3A_181 = arith.constant 9.99999997E-7 : f32
      %add3A_182 = vector.broadcast %add3A_181 : f32 to vector<16xf32>
      %add3A_183 = arith.addf %gather3A, %add3A_182 : vector<16xf32>
      %div3A_184 = arith.divf %get3A_180, %add3A_183 : vector<16xf32>
      %add3A_185 = arith.addf %while3A_169, %div3A_184 : vector<16xf32>
      scf.yield %add3A_185 : vector<16xf32>
    }
    %swap3A = arith.constant 0 : index
    %swap3A_164 = tpu.vector_load %arg10[%swap3A] {strides = array<i32>} : memref<16xf32, #tpu.memory_space<vmem>>, vector<16xf32>,
    tpu.vector_store %arg10[%swap3A], %while3A_163 {strides = array<i32>} : memref<16xf32, #tpu.memory_space<vmem>>, vector<16xf32>,
    %mul3A_165 = arith.constant 16 : i32
    %mul3A_166 = arith.muli %arg0, %mul3A_165 : i32
    %add3A_167 = arith.addi %mul3A_166, %arg1 : i32
    "tpu.region"() ({
      %run_scoped3A_168 = tpu.sem_alloc : memref<!tpu.dma_semaphore, #tpu.memory_space<semaphore_mem>>
      %dma_start3A = arith.constant 0 : i32
      %dma_start3A_169 = tpu.memref_slice %arg4[%add3A_167, %dma_start3A] : memref<32x16xf32, #tpu.memory_space<hbm>> -> memref<1x16xf32, #tpu.memory_space<hbm>>
      %dma_start3A_170 = tpu.memref_squeeze %dma_start3A_169 : memref<1x16xf32, #tpu.memory_space<hbm>> -> memref<16xf32, #tpu.memory_space<hbm>>
      %dma_start3A_171 = arith.constant 0 : i32
      %dma_start3A_172 = tpu.memref_slice %arg4[%add3A_167, %dma_start3A_171] : memref<32x16xf32, #tpu.memory_space<hbm>> -> memref<1x16xf32, #tpu.memory_space<hbm>>
      %dma_start3A_173 = tpu.memref_squeeze %dma_start3A_172 : memref<1x16xf32, #tpu.memory_space<hbm>> -> memref<16xf32, #tpu.memory_space<hbm>>
      tpu.enqueue_dma source(%arg10 : memref<16xf32, #tpu.memory_space<vmem>>) target(%dma_start3A_173 : memref<16xf32, #tpu.memory_space<hbm>>) target_semaphore(%run_scoped3A_168 : memref<!tpu.dma_semaphore, #tpu.memory_space<semaphore_mem>>)
      %dma_wait3A = arith.constant 0 : i32
      %dma_wait3A_174 = tpu.memref_slice %arg4[%add3A_167, %dma_wait3A] : memref<32x16xf32, #tpu.memory_space<hbm>> -> memref<1x16xf32, #tpu.memory_space<hbm>>
      %dma_wait3A_175 = tpu.memref_squeeze %dma_wait3A_174 : memref<1x16xf32, #tpu.memory_space<hbm>> -> memref<16xf32, #tpu.memory_space<hbm>>
      %dma_wait3A_176 = arith.constant 0 : i32
      %dma_wait3A_177 = tpu.memref_slice %arg4[%add3A_167, %dma_wait3A_176] : memref<32x16xf32, #tpu.memory_space<hbm>> -> memref<1x16xf32, #tpu.memory_space<hbm>>
      %dma_wait3A_178 = tpu.memref_squeeze %dma_wait3A_177 : memref<1x16xf32, #tpu.memory_space<hbm>> -> memref<16xf32, #tpu.memory_space<hbm>>
      tpu.wait_dma2 semaphore(%run_scoped3A_168 : memref<!tpu.dma_semaphore, #tpu.memory_space<semaphore_mem>>) src(%arg10 : memref<16xf32, #tpu.memory_space<vmem>>) dst(%dma_wait3A_178 : memref<16xf32, #tpu.memory_space<hbm>>)
      tpu.yield
    }) : () -> ()
    return
  }
}

module attributes {stable_mosaic.version = 14 : i64} {
  func.func @_dist_body(%arg0: i32, %arg1: memref<1x4096x16xbf16, #tpu.memory_space<vmem>>, %arg2: memref<1x16x4096xbf16, #tpu.memory_space<vmem>>, %arg3: memref<1x1x4096xf32, #tpu.memory_space<vmem>>, %arg4: memref<1x1x4096xi32, #tpu.memory_space<vmem>>, %arg5: memref<1x1x4096xf32, #tpu.memory_space<vmem>>, %arg6: memref<1x1x4096xi32, #tpu.memory_space<vmem>>, %arg7: memref<1x4096xf32, #tpu.memory_space<vmem>>) attributes {dimension_semantics = [#tpu.dimension_semantics<arbitrary>], iteration_bounds = array<i64: 4>, scalar_prefetch = 0 : i64, scratch_operands = 1 : i64, tpu.core_type = #tpu.core_type<tc>, window_params = [{transform_indices = @transform_0, window_bounds = array<i64: 1, 4096, 16>}, {transform_indices = @transform_1, window_bounds = array<i64: 1, 16, 4096>}, {transform_indices = @transform_2, window_bounds = array<i64: 1, 1, 4096>}, {transform_indices = @transform_3, window_bounds = array<i64: 1, 1, 4096>}, {transform_indices = @transform_4, window_bounds = array<i64: 1, 1, 4096>}, {transform_indices = @transform_5, window_bounds = array<i64: 1, 1, 4096>}]} {
    %get3A = arith.constant 0 : index
    %get3A_0 = arith.constant 0 : index
    %get3A_1 = arith.constant 0 : index
    %get3A_2 = vector.load %arg2[%get3A, %get3A_0, %get3A_1] : memref<1x16x4096xbf16, #tpu.memory_space<vmem>>, vector<1x16x4096xbf16>
    %get3A_3 = vector.shape_cast %get3A_2 : vector<1x16x4096xbf16> to vector<16x4096xbf16>
    %broadcast_in_dim3A = arith.constant 0x7F800000 : f32
    %broadcast_in_dim3A_4 = vector.broadcast %broadcast_in_dim3A : f32 to vector<1x4096xf32>
    %swap3A = arith.constant 0 : index
    %swap3A_5 = arith.constant 0 : index
    %swap3A_6 = vector.load %arg7[%swap3A, %swap3A_5] : memref<1x4096xf32, #tpu.memory_space<vmem>>, vector<1x4096xf32>
    tpu.vector_store %arg7[%swap3A, %swap3A_5], %broadcast_in_dim3A_4 {strides = array<i32>} : memref<1x4096xf32, #tpu.memory_space<vmem>>, vector<1x4096xf32>,
    %while3A = arith.constant 0 : i32
    %while3A_7 = arith.constant 0 : i32
    %while3A_8 = arith.constant 8 : i32
    %while3A_9 = arith.subi %while3A_8, %while3A_7 : i32
    %while3A_10 = arith.addi %while3A_7, %while3A_9 : i32
    %while3A_11 = arith.constant 1 : i32
    %while3A_12 = arith.divsi %while3A_9, %while3A_11 : i32
    %while3A_13 = arith.muli %while3A_12, %while3A_11 : i32
    %while3A_14 = arith.addi %while3A_7, %while3A_13 : i32
    %while3A_15 = arith.constant 1 : i32
    scf.for %while3A_41 = %while3A_7 to %while3A_14 step %while3A_15  : i32 {
      %mul3A_42 = arith.constant 512 : i32
      %mul3A_43 = arith.muli %while3A_41, %mul3A_42 : i32
      %get3A_44 = arith.constant 0 : index
      %get3A_45 = arith.index_cast %mul3A_43 : i32 to index
      %get3A_46 = arith.constant 0 : index
      %get3A_47 = vector.load %arg1[%get3A_44, %get3A_45, %get3A_46] : memref<1x4096x16xbf16, #tpu.memory_space<vmem>>, vector<1x512x16xbf16>
      %get3A_48 = vector.shape_cast %get3A_47 : vector<1x512x16xbf16> to vector<512x16xbf16>
      %dot_general3A = arith.constant dense<0.000000e+00> : vector<512x4096xf32>
      %dot_general3A_49 = tpu.matmul %get3A_48, %get3A_3, %dot_general3A {dimension_numbers = #tpu.dot_dimension_numbers<[1], [0], [0], [1], [0, 0, 1, 1], [], []>, transpose_lhs_hint = false} : vector<512x16xbf16>, vector<16x4096xbf16>, vector<512x4096xf32> -> vector<512x4096xf32>
      %bitcast_convert_type3A_50 = tpu.bitcast %dot_general3A_49 : vector<512x4096xf32> -> vector<512x4096xi32>
      %and3A_51 = arith.constant -4096 : i32
      %and3A_52 = vector.broadcast %and3A_51 : i32 to vector<512x4096xi32>
      %and3A_53 = arith.andi %bitcast_convert_type3A_50, %and3A_52 : vector<512x4096xi32>
      %iota3A = tpu.iota {dimensions = array<i32: 1>} : vector<512x4096xi32>
      %iota3A_54 = tpu.iota {dimensions = array<i32: 0>} : vector<512x4096xi32>
      %mul3A_55 = arith.constant 512 : i32
      %mul3A_56 = arith.muli %while3A_41, %mul3A_55 : i32
      %add3A = vector.broadcast %mul3A_56 : i32 to vector<512x4096xi32>
      %add3A_57 = arith.addi %iota3A_54, %add3A : vector<512x4096xi32>
      %or3A = arith.ori %and3A_53, %iota3A : vector<512x4096xi32>
      %bitcast_convert_type3A_58 = tpu.bitcast %or3A : vector<512x4096xi32> -> vector<512x4096xf32>
      %or3A_59 = arith.ori %and3A_53, %add3A_57 : vector<512x4096xi32>
      %bitcast_convert_type3A_60 = tpu.bitcast %or3A_59 : vector<512x4096xi32> -> vector<512x4096xf32>
      %reduce_min3A = arith.constant dense<0x7F800000> : vector<512xf32>
      %reduce_min3A_61 = vector.multi_reduction <minimumf>, %bitcast_convert_type3A_58, %reduce_min3A [1] : vector<512x4096xf32> to vector<512xf32>
      %bitcast_convert_type3A_62 = tpu.bitcast %reduce_min3A_61 : vector<512xf32> -> vector<512xi32>
      %and3A_63 = arith.constant -4096 : i32
      %and3A_64 = vector.broadcast %and3A_63 : i32 to vector<512xi32>
      %and3A_65 = arith.andi %bitcast_convert_type3A_62, %and3A_64 : vector<512xi32>
      %bitcast_convert_type3A_66 = tpu.bitcast %and3A_65 : vector<512xi32> -> vector<512xf32>
      %mul3A_67 = arith.constant -1.000000e+01 : f32
      %mul3A_68 = vector.broadcast %mul3A_67 : f32 to vector<512xf32>
      %mul3A_69 = arith.mulf %bitcast_convert_type3A_66, %mul3A_68 : vector<512xf32>
      %exp3A_70 = math.exp %mul3A_69 : vector<512xf32>
      %mul3A_71 = arith.constant 512 : i32
      %mul3A_72 = arith.muli %while3A_41, %mul3A_71 : i32
      %swap3A_73 = arith.constant 0 : index
      %swap3A_74 = arith.constant 0 : index
      %swap3A_75 = arith.index_cast %mul3A_72 : i32 to index
      %swap3A_76 = vector.load %arg3[%swap3A_73, %swap3A_74, %swap3A_75] : memref<1x1x4096xf32, #tpu.memory_space<vmem>>, vector<1x1x512xf32>
      %swap3A_77 = vector.shape_cast %swap3A_76 : vector<1x1x512xf32> to vector<512xf32>
      %swap3A_78 = vector.shape_cast %exp3A_70 : vector<512xf32> to vector<1x1x512xf32>
      tpu.vector_store %arg3[%swap3A_73, %swap3A_74, %swap3A_75], %swap3A_78 {strides = array<i32>} : memref<1x1x4096xf32, #tpu.memory_space<vmem>>, vector<1x1x512xf32>,
      %and3A_79 = arith.constant 4095 : i32
      %and3A_80 = vector.broadcast %and3A_79 : i32 to vector<512xi32>
      %and3A_81 = arith.andi %bitcast_convert_type3A_62, %and3A_80 : vector<512xi32>
      %mul3A_82 = arith.constant 512 : i32
      %mul3A_83 = arith.muli %while3A_41, %mul3A_82 : i32
      %swap3A_84 = arith.constant 0 : index
      %swap3A_85 = arith.constant 0 : index
      %swap3A_86 = arith.index_cast %mul3A_83 : i32 to index
      %swap3A_87 = vector.load %arg4[%swap3A_84, %swap3A_85, %swap3A_86] : memref<1x1x4096xi32, #tpu.memory_space<vmem>>, vector<1x1x512xi32>
      %swap3A_88 = vector.shape_cast %swap3A_87 : vector<1x1x512xi32> to vector<512xi32>
      %swap3A_89 = vector.shape_cast %and3A_81 : vector<512xi32> to vector<1x1x512xi32>
      tpu.vector_store %arg4[%swap3A_84, %swap3A_85, %swap3A_86], %swap3A_89 {strides = array<i32>} : memref<1x1x4096xi32, #tpu.memory_space<vmem>>, vector<1x1x512xi32>,
      %reduce_min3A_90 = arith.constant dense<0x7F800000> : vector<4096xf32>
      %reduce_min3A_91 = vector.multi_reduction <minimumf>, %bitcast_convert_type3A_60, %reduce_min3A_90 [0] : vector<512x4096xf32> to vector<4096xf32>
      %broadcast_in_dim3A_92 = vector.shape_cast %reduce_min3A_91 : vector<4096xf32> to vector<1x4096xf32>
      %get3A_93 = arith.constant 0 : index
      %get3A_94 = arith.constant 0 : index
      %get3A_95 = vector.load %arg7[%get3A_93, %get3A_94] : memref<1x4096xf32, #tpu.memory_space<vmem>>, vector<1x4096xf32>
      %min3A = arith.minimumf %get3A_95, %broadcast_in_dim3A_92 : vector<1x4096xf32>
      %swap3A_96 = arith.constant 0 : index
      %swap3A_97 = arith.constant 0 : index
      %swap3A_98 = vector.load %arg7[%swap3A_96, %swap3A_97] : memref<1x4096xf32, #tpu.memory_space<vmem>>, vector<1x4096xf32>
      tpu.vector_store %arg7[%swap3A_96, %swap3A_97], %min3A {strides = array<i32>} : memref<1x4096xf32, #tpu.memory_space<vmem>>, vector<1x4096xf32>,
    }
    %while3A_16 = arith.constant 1 : i32
    scf.for %while3A_41 = %while3A_14 to %while3A_10 step %while3A_16  : i32 {
      %mul3A_42 = arith.constant 512 : i32
      %mul3A_43 = arith.muli %while3A_41, %mul3A_42 : i32
      %get3A_44 = arith.constant 0 : index
      %get3A_45 = arith.index_cast %mul3A_43 : i32 to index
      %get3A_46 = arith.constant 0 : index
      %get3A_47 = vector.load %arg1[%get3A_44, %get3A_45, %get3A_46] : memref<1x4096x16xbf16, #tpu.memory_space<vmem>>, vector<1x512x16xbf16>
      %get3A_48 = vector.shape_cast %get3A_47 : vector<1x512x16xbf16> to vector<512x16xbf16>
      %dot_general3A = arith.constant dense<0.000000e+00> : vector<512x4096xf32>
      %dot_general3A_49 = tpu.matmul %get3A_48, %get3A_3, %dot_general3A {dimension_numbers = #tpu.dot_dimension_numbers<[1], [0], [0], [1], [0, 0, 1, 1], [], []>, transpose_lhs_hint = false} : vector<512x16xbf16>, vector<16x4096xbf16>, vector<512x4096xf32> -> vector<512x4096xf32>
      %bitcast_convert_type3A_50 = tpu.bitcast %dot_general3A_49 : vector<512x4096xf32> -> vector<512x4096xi32>
      %and3A_51 = arith.constant -4096 : i32
      %and3A_52 = vector.broadcast %and3A_51 : i32 to vector<512x4096xi32>
      %and3A_53 = arith.andi %bitcast_convert_type3A_50, %and3A_52 : vector<512x4096xi32>
      %iota3A = tpu.iota {dimensions = array<i32: 1>} : vector<512x4096xi32>
      %iota3A_54 = tpu.iota {dimensions = array<i32: 0>} : vector<512x4096xi32>
      %mul3A_55 = arith.constant 512 : i32
      %mul3A_56 = arith.muli %while3A_41, %mul3A_55 : i32
      %add3A = vector.broadcast %mul3A_56 : i32 to vector<512x4096xi32>
      %add3A_57 = arith.addi %iota3A_54, %add3A : vector<512x4096xi32>
      %or3A = arith.ori %and3A_53, %iota3A : vector<512x4096xi32>
      %bitcast_convert_type3A_58 = tpu.bitcast %or3A : vector<512x4096xi32> -> vector<512x4096xf32>
      %or3A_59 = arith.ori %and3A_53, %add3A_57 : vector<512x4096xi32>
      %bitcast_convert_type3A_60 = tpu.bitcast %or3A_59 : vector<512x4096xi32> -> vector<512x4096xf32>
      %reduce_min3A = arith.constant dense<0x7F800000> : vector<512xf32>
      %reduce_min3A_61 = vector.multi_reduction <minimumf>, %bitcast_convert_type3A_58, %reduce_min3A [1] : vector<512x4096xf32> to vector<512xf32>
      %bitcast_convert_type3A_62 = tpu.bitcast %reduce_min3A_61 : vector<512xf32> -> vector<512xi32>
      %and3A_63 = arith.constant -4096 : i32
      %and3A_64 = vector.broadcast %and3A_63 : i32 to vector<512xi32>
      %and3A_65 = arith.andi %bitcast_convert_type3A_62, %and3A_64 : vector<512xi32>
      %bitcast_convert_type3A_66 = tpu.bitcast %and3A_65 : vector<512xi32> -> vector<512xf32>
      %mul3A_67 = arith.constant -1.000000e+01 : f32
      %mul3A_68 = vector.broadcast %mul3A_67 : f32 to vector<512xf32>
      %mul3A_69 = arith.mulf %bitcast_convert_type3A_66, %mul3A_68 : vector<512xf32>
      %exp3A_70 = math.exp %mul3A_69 : vector<512xf32>
      %mul3A_71 = arith.constant 512 : i32
      %mul3A_72 = arith.muli %while3A_41, %mul3A_71 : i32
      %swap3A_73 = arith.constant 0 : index
      %swap3A_74 = arith.constant 0 : index
      %swap3A_75 = arith.index_cast %mul3A_72 : i32 to index
      %swap3A_76 = vector.load %arg3[%swap3A_73, %swap3A_74, %swap3A_75] : memref<1x1x4096xf32, #tpu.memory_space<vmem>>, vector<1x1x512xf32>
      %swap3A_77 = vector.shape_cast %swap3A_76 : vector<1x1x512xf32> to vector<512xf32>
      %swap3A_78 = vector.shape_cast %exp3A_70 : vector<512xf32> to vector<1x1x512xf32>
      tpu.vector_store %arg3[%swap3A_73, %swap3A_74, %swap3A_75], %swap3A_78 {strides = array<i32>} : memref<1x1x4096xf32, #tpu.memory_space<vmem>>, vector<1x1x512xf32>,
      %and3A_79 = arith.constant 4095 : i32
      %and3A_80 = vector.broadcast %and3A_79 : i32 to vector<512xi32>
      %and3A_81 = arith.andi %bitcast_convert_type3A_62, %and3A_80 : vector<512xi32>
      %mul3A_82 = arith.constant 512 : i32
      %mul3A_83 = arith.muli %while3A_41, %mul3A_82 : i32
      %swap3A_84 = arith.constant 0 : index
      %swap3A_85 = arith.constant 0 : index
      %swap3A_86 = arith.index_cast %mul3A_83 : i32 to index
      %swap3A_87 = vector.load %arg4[%swap3A_84, %swap3A_85, %swap3A_86] : memref<1x1x4096xi32, #tpu.memory_space<vmem>>, vector<1x1x512xi32>
      %swap3A_88 = vector.shape_cast %swap3A_87 : vector<1x1x512xi32> to vector<512xi32>
      %swap3A_89 = vector.shape_cast %and3A_81 : vector<512xi32> to vector<1x1x512xi32>
      tpu.vector_store %arg4[%swap3A_84, %swap3A_85, %swap3A_86], %swap3A_89 {strides = array<i32>} : memref<1x1x4096xi32, #tpu.memory_space<vmem>>, vector<1x1x512xi32>,
      %reduce_min3A_90 = arith.constant dense<0x7F800000> : vector<4096xf32>
      %reduce_min3A_91 = vector.multi_reduction <minimumf>, %bitcast_convert_type3A_60, %reduce_min3A_90 [0] : vector<512x4096xf32> to vector<4096xf32>
      %broadcast_in_dim3A_92 = vector.shape_cast %reduce_min3A_91 : vector<4096xf32> to vector<1x4096xf32>
      %get3A_93 = arith.constant 0 : index
      %get3A_94 = arith.constant 0 : index
      %get3A_95 = vector.load %arg7[%get3A_93, %get3A_94] : memref<1x4096xf32, #tpu.memory_space<vmem>>, vector<1x4096xf32>
      %min3A = arith.minimumf %get3A_95, %broadcast_in_dim3A_92 : vector<1x4096xf32>
      %swap3A_96 = arith.constant 0 : index
      %swap3A_97 = arith.constant 0 : index
      %swap3A_98 = vector.load %arg7[%swap3A_96, %swap3A_97] : memref<1x4096xf32, #tpu.memory_space<vmem>>, vector<1x4096xf32>
      tpu.vector_store %arg7[%swap3A_96, %swap3A_97], %min3A {strides = array<i32>} : memref<1x4096xf32, #tpu.memory_space<vmem>>, vector<1x4096xf32>,
    }
    %get3A_17 = arith.constant 0 : index
    %get3A_18 = arith.constant 0 : index
    %get3A_19 = vector.load %arg7[%get3A_17, %get3A_18] : memref<1x4096xf32, #tpu.memory_space<vmem>>, vector<1x4096xf32>
    %get3A_20 = vector.shape_cast %get3A_19 : vector<1x4096xf32> to vector<4096xf32>
    %bitcast_convert_type3A = tpu.bitcast %get3A_20 : vector<4096xf32> -> vector<4096xi32>
    %and3A = arith.constant -4096 : i32
    %and3A_21 = vector.broadcast %and3A : i32 to vector<4096xi32>
    %and3A_22 = arith.andi %bitcast_convert_type3A, %and3A_21 : vector<4096xi32>
    %bitcast_convert_type3A_23 = tpu.bitcast %and3A_22 : vector<4096xi32> -> vector<4096xf32>
    %mul3A = arith.constant -1.000000e+01 : f32
    %mul3A_24 = vector.broadcast %mul3A : f32 to vector<4096xf32>
    %mul3A_25 = arith.mulf %bitcast_convert_type3A_23, %mul3A_24 : vector<4096xf32>
    %exp3A = math.exp %mul3A_25 : vector<4096xf32>
    %swap3A_26 = arith.constant 0 : index
    %swap3A_27 = arith.constant 0 : index
    %swap3A_28 = arith.constant 0 : index
    %swap3A_29 = vector.load %arg5[%swap3A_26, %swap3A_27, %swap3A_28] : memref<1x1x4096xf32, #tpu.memory_space<vmem>>, vector<1x1x4096xf32>
    %swap3A_30 = vector.shape_cast %swap3A_29 : vector<1x1x4096xf32> to vector<4096xf32>
    %swap3A_31 = vector.shape_cast %exp3A : vector<4096xf32> to vector<1x1x4096xf32>
    tpu.vector_store %arg5[%swap3A_26, %swap3A_27, %swap3A_28], %swap3A_31 {strides = array<i32>} : memref<1x1x4096xf32, #tpu.memory_space<vmem>>, vector<1x1x4096xf32>,
    %and3A_32 = arith.constant 4095 : i32
    %and3A_33 = vector.broadcast %and3A_32 : i32 to vector<4096xi32>
    %and3A_34 = arith.andi %bitcast_convert_type3A, %and3A_33 : vector<4096xi32>
    %swap3A_35 = arith.constant 0 : index
    %swap3A_36 = arith.constant 0 : index
    %swap3A_37 = arith.constant 0 : index
    %swap3A_38 = vector.load %arg6[%swap3A_35, %swap3A_36, %swap3A_37] : memref<1x1x4096xi32, #tpu.memory_space<vmem>>, vector<1x1x4096xi32>
    %swap3A_39 = vector.shape_cast %swap3A_38 : vector<1x1x4096xi32> to vector<4096xi32>
    %swap3A_40 = vector.shape_cast %and3A_34 : vector<4096xi32> to vector<1x1x4096xi32>
    tpu.vector_store %arg6[%swap3A_35, %swap3A_36, %swap3A_37], %swap3A_40 {strides = array<i32>} : memref<1x1x4096xi32, #tpu.memory_space<vmem>>, vector<1x1x4096xi32>,
    return
  }
  func.func @transform_0(%arg0: i32) -> (i32, i32, i32) {
    %c0_i32 = arith.constant 0 : i32
    %c0_i32_0 = arith.constant 0 : i32
    %c0_i32_1 = arith.constant 0 : i32
    return %arg0, %c0_i32, %c0_i32_0 : i32, i32, i32
  }
  func.func @transform_1(%arg0: i32) -> (i32, i32, i32) {
    %c0_i32 = arith.constant 0 : i32
    %c0_i32_0 = arith.constant 0 : i32
    %c0_i32_1 = arith.constant 0 : i32
    return %arg0, %c0_i32, %c0_i32_0 : i32, i32, i32
  }
  func.func @transform_2(%arg0: i32) -> (i32, i32, i32) {
    %c0_i32 = arith.constant 0 : i32
    %c0_i32_0 = arith.constant 0 : i32
    %c0_i32_1 = arith.constant 0 : i32
    return %arg0, %c0_i32, %c0_i32_0 : i32, i32, i32
  }
  func.func @transform_3(%arg0: i32) -> (i32, i32, i32) {
    %c0_i32 = arith.constant 0 : i32
    %c0_i32_0 = arith.constant 0 : i32
    %c0_i32_1 = arith.constant 0 : i32
    return %arg0, %c0_i32, %c0_i32_0 : i32, i32, i32
  }
  func.func @transform_4(%arg0: i32) -> (i32, i32, i32) {
    %c0_i32 = arith.constant 0 : i32
    %c0_i32_0 = arith.constant 0 : i32
    %c0_i32_1 = arith.constant 0 : i32
    return %arg0, %c0_i32, %c0_i32_0 : i32, i32, i32
  }
  func.func @transform_5(%arg0: i32) -> (i32, i32, i32) {
    %c0_i32 = arith.constant 0 : i32
    %c0_i32_0 = arith.constant 0 : i32
    %c0_i32_1 = arith.constant 0 : i32
    return %arg0, %c0_i32, %c0_i32_0 : i32, i32, i32
  }
}

</mosaic_0001>

<sc_bundles>
// kernel: kernel.4.cloned.1.call-start
scs
__scs_entry_jumppad:
0x0: {  	(pc) =	sbr.rel $0x88, $3  }
0x1: {  	(tag) =	ssettag $0x0;
	lr =	simm.s32 $0x1  }
0x2: {  	[smem:$0x3F9F] =	sst lr;
	_ =	strace $0xD0000000  }
0x3: {  	_ = 	snop  }
0x4: {  	_ = 	snop  }
0x5: {  	_ = 	snop  }
0x6: {  	_ = 	snop  }
0x7: {  	_ = 	snop  }
__scs_overlays_trampoline_lowered:
0x8: {  	[smem:$0x3FAE] =	sst s0  }
0x9: {  	[smem:$0x3FAF] =	sst s1  }
0xa: {  	[smem:$0x3FB0] =	sst s2  }
0xb: {  	[smem:$0x3FB1] =	sst s3  }
0xc: {  	[smem:$0x3FB2] =	sst s4  }
0xd: {  	[smem:$0x3FB3] =	sst s5  }
0xe: {  	[smem:$0x3FB4] =	sst s6  }
0xf: {  	[smem:$0x3FB5] =	sst s7  }
0x10: {  	[smem:$0x3FB6] =	sst s8  }
0x11: {  	[smem:$0x3FB7] =	sst s9;
	s0 =	simm.s32 @!p0 $0x0  }
0x12: {  	s1 =	sld [smem:$0x3F9D];
	s0 =	simm.s32 @p0 $0x1  }
0x13: {  	[smem:$0x3FB8] =	sst s0;
	s0 =	simm.s32 @!p1 $0x0  }
0x14: {  	s2 =	sld [smem:$0x3F9C];
	s0 =	simm.s32 @p1 $0x1  }
0x15: {  	[smem:$0x3FB9] =	sst s0;
	s0 =	simm.s32 @!p2 $0x0  }
0x16: {  	s3 =	sld [smem:$0x3FDB];
	s0 =	simm.s32 @p2 $0x1  }
0x17: {  	s4 =	simm.s32 $0x1BF5;
	[smem:$0x3FBB] =	sst s0  }
0x18: {  	s0 =	sld [smem:$0x3F9E];
	_ =	swait.ge [sflag:s4], $0x0  }
0x19: {  	s7 =	sld [smem:$0x3F9F]  }
0x1a: {  	s8 =	sadd.s32 $0xFFFFE003, lr  }
0x1b: {  	s9 =	sadd.s32 $0xFFFFFEF7, lr;
	s5 =	simm.s32 $0xFFFFFFFF;
	p2 =	slt.u32 s8, $0xFFFFF086  }
0x1c: {  	p1 =	slt.u32 s9, $0xF7A;
	s5 =	simm.s32 @!p2 $0x0  }
0x1d: {  	s5 =	simm.s32 @p1 $0x1;
	p0 =	seq.s32 s7, s2  }
0x1e: {  	s7 =	smul.u32 @!p0 $0xF7A, s2;
	p2 =	seq.s32 @!p0 s5, $0x0  }
0x1f: {  	s9 =	smul.u32 $0xF7A, s1;
	s8 =	simm.s32 @!p0 $0x1BF5;
	p2 =	por !p2, p0  }
0x20: {  	[sflag:s8] =	ssyncset.s32 @!p0 $0xFFFFF086;
	s6 =	sadd.s32 @!p0 s3, s7;
	s7 =	simm.s32 @!p0 $0x108  }
0x21: {  	s3 =	sadd.s32 s3, s9;
	s6 =	sadd.s32 @!p0 $0x88, s6;
	s7 =	simm.s32 @p2 $0x1082  }
0x22: {  	[simem:s7], [sflag:s8] =	dma.local @!p0 [hbm:s6], $0xF7A  }
0x23: {  	s9 =	sor.u32 $0xD0000000, s2;
	s6 =	simm.s32 $0x108;
	_ =	swait.ge @!p0 [sflag:s8], $0x0  }
0x24: {  	s3 =	sadd.s32 $0x88, s3;
	s6 =	simm.s32 @!p1 $0x1082;
	[sflag:s4] =	ssyncset.s32 $0xFFFFF086  }
0x25: {  	[simem:s6], [sflag:s4] =	dma.local [hbm:s3], $0xF7A  }
0x26: {  	[smem:$0x3F9F] =	sst s1;
	(tag) =	ssettag s2;
	_ =	strace s9  }
0x27: {  	s1 =	sld [smem:$0x3FAF]  }
0x28: {  	s2 =	sld [smem:$0x3FB0]  }
0x29: {  	s4 =	sld [smem:$0x3FB2]  }
0x2a: {  	p0 =	seq.s32 s5, $0x0;
	s5 =	sld [smem:$0x3FB3]  }
0x2b: {  	s6 =	sld [smem:$0x3FB4]  }
0x2c: {  	s7 =	sld [smem:$0x3FB5]  }
0x2d: {  	s3 =	simm.s32 $0x108;
	s8 =	sld [smem:$0x3FB6]  }
0x2e: {  	s3 =	simm.s32 @!p0 $0x1082;
	s9 =	sld [smem:$0x3FB7]  }
0x2f: {  	lr =	sadd.s32 s0, s3;
	s0 =	sld [smem:$0x3FAE]  }
0x30: {  	s3 =	sld [smem:$0x3FB1]  }
0x31: {  	[smem:$0x3FBA] =	sst s10  }
0x32: {  	s10 =	sld [smem:$0x3FB8];
	_ =	sdelay $0x3  }
0x33: {  	p0 =	seq.s32 s10, $0x1;
	s10 =	sld [smem:$0x3FBA];
	_ =	sdelay $0x3  }
0x34: {  	[smem:$0x3FBA] =	sst s10  }
0x35: {  	s10 =	sld [smem:$0x3FB9];
	_ =	sdelay $0x3  }
0x36: {  	p1 =	seq.s32 s10, $0x1;
	s10 =	sld [smem:$0x3FBA];
	_ =	sdelay $0x3  }
0x37: {  	[smem:$0x3FBA] =	sst s10  }
0x38: {  	s10 =	sld [smem:$0x3FBB]  }
0x39: {  	_ = 	snop;
	(pc) =	sbr.ind lr, $3  }
0x3a: {  	_ = 	snop  }
0x3b: {  	_ = 	snop  }
0x3c: {  	p2 =	seq.s32 s10, $0x1;
	s10 =	sld [smem:$0x3FBA]  }
0x3d: {  	_ =	shalt  }
0x3e: {  	_ =	shalt  }
0x3f: {  	_ =	shalt  }
0x40: {  	_ =	shalt  }
0x41: {  	_ =	shalt  }
0x42: {  	_ =	shalt  }
0x43: {  	_ =	shalt  }
0x44: {  	_ =	shalt  }
0x45: {  	_ =	shalt  }
0x46: {  	_ =	shalt  }
0x47: {  	_ =	shalt  }
0x48: {  	_ =	shalt  }
0x49: {  	_ =	shalt  }
0x4a: {  	_ =	shalt  }
0x4b: {  	_ =	shalt  }
0x4c: {  	_ =	shalt  }
0x4d: {  	_ =	shalt  }
0x4e: {  	_ =	shalt  }
0x4f: {  	_ =	shalt  }
0x50: {  	_ =	shalt  }
0x51: {  	_ =	shalt  }
0x52: {  	_ =	shalt  }
0x53: {  	_ =	shalt  }
0x54: {  	_ =	shalt  }
0x55: {  	_ =	shalt  }
0x56: {  	_ =	shalt  }
0x57: {  	_ =	shalt  }
0x58: {  	_ =	shalt  }
0x59: {  	_ =	shalt  }
0x5a: {  	_ =	shalt  }
0x5b: {  	_ =	shalt  }
0x5c: {  	_ =	shalt  }
0x5d: {  	_ =	shalt  }
0x5e: {  	_ =	shalt  }
0x5f: {  	_ =	shalt  }
0x60: {  	_ =	shalt  }
0x61: {  	_ =	shalt  }
0x62: {  	_ =	shalt  }
0x63: {  	_ =	shalt  }
0x64: {  	_ =	shalt  }
0x65: {  	_ =	shalt  }
0x66: {  	_ =	shalt  }
0x67: {  	_ =	shalt  }
0x68: {  	_ =	shalt  }
0x69: {  	_ =	shalt  }
0x6a: {  	_ =	shalt  }
0x6b: {  	_ =	shalt  }
0x6c: {  	_ =	shalt  }
0x6d: {  	_ =	shalt  }
0x6e: {  	_ =	shalt  }
0x6f: {  	_ =	shalt  }
0x70: {  	_ =	shalt  }
0x71: {  	_ =	shalt  }
0x72: {  	_ =	shalt  }
0x73: {  	_ =	shalt  }
0x74: {  	_ =	shalt  }
0x75: {  	_ =	shalt  }
0x76: {  	_ =	shalt  }
0x77: {  	_ =	shalt  }
0x78: {  	_ =	shalt  }
0x79: {  	_ =	shalt  }
0x7a: {  	_ =	shalt  }
0x7b: {  	_ =	shalt  }
0x7c: {  	_ =	shalt  }
0x7d: {  	_ =	shalt  }
0x7e: {  	_ =	shalt  }
0x7f: {  	_ =	shalt  }
0x80: {  	_ =	shalt  }
0x81: {  	_ =	shalt  }
0x82: {  	_ =	shalt  }
0x83: {  	_ =	shalt  }
0x84: {  	_ =	shalt  }
0x85: {  	_ =	shalt  }
0x86: {  	_ =	shalt  }
0x87: {  	_ =	shalt  }
.Lfunc_end0:
.L_simem_size_0:
called_computation_lowered:
.L_overlay_start_0:
0x88: {  	s2 =	sld [smem:$0x3FD9]  }
0x89: {  	s3 =	sld [smem:$0x3FFE];
	_ =	sdelay $0x1  }
0x8a: {  	s1 =	srdreg.scid  }
0x8b: {  	s0 =	sand.u32 $0x1, s1  }
0x8c: {  	s16 =	sshll.u32 s0, $0xA;
	s2 =	sadd.s32 s3, s2  }
0x8d: {  	s2 =	sadd.s32 s2, s16  }
0x8e: {  	[smem:$0x3FC6] =	sst s2  }
0x8f: {  	_ = 	snop  }
0x90: {  	(tm) =	ssettm $0x1  }
0x91: {  	s17 =	sld [smem:$0x3FFB];
	_ =	sdelay $0x3  }
0x92: {  	_ =	strace s17  }
0x93: {  	s2 =	sld [smem:$0x3FFC];
	_ =	sdelay $0x3  }
0x94: {  	_ =	strace s2  }
0x95: {  	s2 =	sld [smem:$0x3FFD];
	_ =	sdelay $0x3  }
0x96: {  	_ =	strace s2  }
0x97: {  	_ =	strace $0x8FFFFFFF  }
0x98: {  	s18 =	sld [smem:$0x3FDB];
	_ =	sdelay $0x1  }
0x99: {  	s19 =	simm.s32 $_scs_section_size  }
0x9a: {  	s4 =	simm.s32 $_size__tile_overlayer_lowered;
	s5 =	simm.s32 $_tile_overlayer_lowered  }
0x9b: {  	s22 =	simm.s32 $0x1BFF;
	s21 =	sshll.u32 s5, $0x1;
	s2 =	sadd.s32 s19, s18  }
0x9c: {  	s6 =	simm.s32 $0x0;
	s20 =	sshll.u32 s4, $0x1;
	s4 =	sadd.s32 s21, s2  }
0x9d: {  	[timem:s6], [sflag:s22] =	dma.local [hbm:s4], s20  }
0x9e: {  	_ =	swait.ge [sflag:s22], s20  }
0x9f: {  	s3 =	ssub.s32 $0x0, s20;
	[sflag:s22] =	ssyncset.done $0x0  }
0xa0: {  	[sflag:s22] =	ssyncadd.s32 s3;
	_ =	sdelay $0x1  }
0xa1: {  	s23 =	simm.s32 $0x1B8B  }
0xa2: {  	_ =	swait.ge [sflag:s23], $0x1  }
0xa3: {  	[sflag:s23] =	ssyncset.done $0x0  }
0xa4: {  	s25 =	simm.s32 $0x1B8E;
	s24 =	sld [smem:$0x3FFE];
	[sflag:s23] =	ssyncadd.s32 $0xFFFFFFFF  }
0xa5: {  	s26 =	simm.s32 $execute0_lowered;
	[smem:$0x3FD2] =	sst s25  }
0xa6: {  	s4 =	sshll.u32 s26, $0x1;
	_ =	strace $0x80000046;
	[dreg:$0x1] =	wrdreg $0xFFFFFFFF  }
0xa7: {  	s28 =	simm.s32 $_size_execute0_lowered;
	s2 =	sadd.s32 s2, s4;
	[dreg:$0x0] =	wrdreg $0x0  }
0xa8: {  	s4 =	sshll.u32 s28, $0x1;
	[dreg:$0x2] =	wrdreg s2  }
0xa9: {  	[dreg:$0x3] =	wrdreg s4  }
0xaa: {  	[dreg:$0x4] =	wrdreg $0xC0  }
0xab: {  	_ =	task [dreg:s6], $0x5FFFF  }
0xac: {  	[dreg:$0x1] =	wrdreg $0xFFFFFFFF  }
0xad: {  	[dreg:$0x0] =	wrdreg $0x60  }
0xae: {  	[dreg:$0x2] =	wrdreg s24  }
0xaf: {  	[dreg:$0x3] =	wrdreg $0x4D000  }
0xb0: {  	[dreg:$0x4] =	wrdreg $0x9  }
0xb1: {  	_ =	task.clear_ibuf [dreg:s6], $0x5FFFF;
	_ =	strace $0x90000046  }
0xb2: {  	s29 =	simm.s32 $0x9;
	_ =	strace $0x80000048  }
0xb3: {  	_ =	swait.ge [sflag:s29], $0x1  }
0xb4: {  	[sflag:s29] =	ssyncadd.s32 $0xFFFFFFFF  }
0xb5: {  	_ =	strace $0x90000048  }
0xb6: {  	_ =	sfence  }
0xb7: {  	s30 =	sld [smem:$0x0];
	_ =	sdelay $0x2  }
0xb8: {  	s31 =	sshll.u32 s1, $0xD;
	s1 =	sshrl.u32 s1, $0x2  }
0xb9: {  	s3 =	sand.u32 $0x4000, s31;
	s1 =	sadd.s32 s1, s30  }
0xba: {  	s0 =	sor.u32 s3, s0;
	s1 =	sshll.u32 s1, $0x11  }
0xbb: {  	s0 =	sor.u32 s1, s0  }
0xbc: {  	s0 =	sadd.s32 $0x8F2B, s0  }
0xbd: {  	[sflag:s0] =	ssyncadd.remote.s32 $0x1  }
0xbe: {  	_ =	sfence.sel $0xFFFF  }
0xbf: {  	[dreg:$0x0] =	wrdreg $0xFFFFFFFF;
	(pc) =	sbr.abs _section_cstart, $3  }
0xc0: {  	[dreg:$0x1] =	wrdreg $0xFFFFFFFF  }
0xc1: {  	_ =	task.clear_ibuf [dreg:s6], $0x2FFFF;
	_ =	strace $0x9FFFFFFF  }
0xc2: {  	(tm) =	ssettm $0x7FFFFFFF  }
0xc3: {  	_ =	shalt  }
tec
execute0_lowered:
.L_overlay_start_1:
0x0: {  	(tag) =	ssettag $0x1  }
0x1: {  	s5 =	rddreg [dreg:$0x0]  }
0x2: {  	s1 =	rddreg [dreg:$0x1]  }
0x3: {  	s0 =	rddreg [dreg:$0x2];
	s3 =	simm.s32 $0x0;
	s4 =	srdreg.scid  }
0x4: {  	s2 =	stileid.u32;
	s13 =	simm.s32 $0xC00;
	s14 =	simm.s32 $0x100  }
0x5: {  	s15 =	simm.s32 $0x180;
	s16 =	simm.s32 $0x200;
	s17 =	simm.s32 $0x280  }
0x6: {  	s18 =	simm.s32 $0x300;
	s19 =	simm.s32 $0x380;
	s20 =	simm.s32 $0xC80  }
0x7: {  	s21 =	simm.s32 $0x4C80;
	s22 =	simm.s32 $0x0;
	[smem:$0x7FF] =	sst s3  }
0x8: {  	s6 =	sand.u32 $0x1, s4;
	s7 =	sshrl.u32 s2, $0x2;
	s26 =	sand.u32 $0x3, s2  }
0x9: {  	s11 =	sshll.u32 s2, $0x4;
	s31 =	sshll.u32 s2, $0xA;
	s8 =	sshll.u32 s6, $0x2  }
0xa: {  	_ =	strace $0x80000047;
	s9 =	sshll.u32 s7, $0x7;
	s29 =	ssub.s32 $0x2, s6  }
0xb: {  	s30 =	sadd.s32 s11, s5;
	s7 =	sshll.u32 s7, $0xA;
	s6 =	sshll.u32 s6, $0x8  }
0xc: {  	s11 =	simm.s32 $0x400;
	s8 =	sor.u32 s26, s8;
	s28 =	sadd.s32 s9, s5  }
0xd: {  	s12 =	sshrl.u32 s29, $0x1;
	s5 =	sadd.s32 s5, s7;
	s10 =	sshll.u32 s8, $0x9  }
0xe: {  	s9 =	ssub.s32 s29, s12;
	s8 =	sshll.u32 s8, $0x4;
	s12 =	simm.s32 $0x800  }
0xf: {  	s4 =	sadd.s32 s10, s28;
	s10 =	sadd.s32 s6, s30;
	s5 =	sadd.s32 s8, s5  }
0x10: {  	s6 =	sadd.s32 s31, s1;
	s8 =	smax.u32 s9, $0x1;
	s9 =	simm.s32 $0x1  }
0x11: {  	v0 =	vimm.f32 $1.000000000e+00;
	v1 =	vimm.f32 $0.0e+00;
	s4 =	sadd.s32 $0x1000, s4;
	s7 =	sadd.s32 $0x2000, s10;
	s10 =	simm.s32 $0x80  }
.LBB2_1:
0x12: {  	[tilespmem:$0xC00] =	vst v0  }
0x13: {  	[tilespmem:$0xC10] =	vst v0  }
0x14: {  	[tilespmem:$0xC20] =	vst v0  }
0x15: {  	[tilespmem:$0xC30] =	vst v0  }
0x16: {  	[tilespmem:$0xC40] =	vst v0  }
0x17: {  	[tilespmem:$0xC50] =	vst v0  }
0x18: {  	[tilespmem:$0xC60] =	vst v0  }
0x19: {  	[tilespmem:$0xC70] =	vst v0;
	s23 =	simm.s32 $0x40;
	s24 =	simm.s32 $0x0  }
.LBB2_2:
0x1a: {  	p0 =	sne.s32 s23, $0xFC0;
	[tilespmem:s24+$0x800] =	vst v1;
	s24 =	smov.u32 s23;
	s23 =	sadd.s32 $0x40, s23  }
.Ltmp0:
0x1b: {  	(pc) =	sbr.rel @p0 .LBB2_2-.Ltmp0, $2  }
0x1c: {  	_ =	sdelay $0x2  }
0x1d: {  	s24 =	sshra.s32 s24, $0x2  }
0x1e: {  	[tilespmem:s24+$0x800] =	vst v1  }
0x1f: {  	[tilespmem:s3], [sflag:$0x1] =	stream.linear.gather [hbm4b:s4+s3], $0x400, $0x38;
	[tilespmem:$0x5100] =	vst v63  }
0x20: {  	_ =	swait.ge [sflag:s9], $0x400  }
0x21: {  	[sflag:s9] =	ssyncset.done $0x0  }
0x22: {  	[sflag:s9] =	ssyncadd.s32 $0xFFFFFC00  }
0x23: {  	[tilespmem:s11], [sflag:$0x1] =	stream.strided.gather [hbm4b:s5+s10], $0x400, s11, s10, $0x38;
	[tilespmem:$0x5100] =	vst v63  }
0x24: {  	_ =	swait.ge [sflag:s9], $0x400  }
0x25: {  	[sflag:s9] =	ssyncset.done $0x0  }
0x26: {  	[sflag:s9] =	ssyncadd.s32 $0xFFFFFC00  }
0x27: {  	[spmem:s6] =	stream.linear.scatter [tilespmem:s12], [sflag:$0x1], $0x400, $0x38;
	[tilespmem:$0x5100] =	vst v63  }
0x28: {  	_ =	swait.ge [sflag:s9], $0x400  }
0x29: {  	[sflag:s9] =	ssyncset.done $0x0  }
0x2a: {  	[sflag:s9] =	ssyncadd.s32 $0xFFFFFC00  }
0x2b: {  	[bflag:$0x0] =	sbarrier.arrive $0xFFFF  }
0x2c: {  	[spmem:s1] =	stream.indirect.scatter.add.f32 [tilespmem:s13], [sflag:$0x1], $0x1, s3, s10, $0xb8;
	[tilespmem:$0x5100] =	vst v63  }
0x2d: {  	_ =	swait.ge [sflag:s9], $0x80  }
0x2e: {  	[sflag:s9] =	ssyncset.done $0x0  }
0x2f: {  	[sflag:s9] =	ssyncadd.s32 $0xFFFFFF80  }
0x30: {  	[spmem:s1] =	stream.indirect.scatter.add.f32 [tilespmem:s13], [sflag:$0x1], $0x1, s10, s10, $0xb8;
	[tilespmem:$0x5100] =	vst v63  }
0x31: {  	_ =	swait.ge [sflag:s9], $0x80  }
0x32: {  	[sflag:s9] =	ssyncset.done $0x0  }
0x33: {  	[sflag:s9] =	ssyncadd.s32 $0xFFFFFF80  }
0x34: {  	[spmem:s1] =	stream.indirect.scatter.add.f32 [tilespmem:s13], [sflag:$0x1], $0x1, s14, s10, $0xb8;
	[tilespmem:$0x5100] =	vst v63  }
0x35: {  	_ =	swait.ge [sflag:s9], $0x80  }
0x36: {  	[sflag:s9] =	ssyncset.done $0x0  }
0x37: {  	[sflag:s9] =	ssyncadd.s32 $0xFFFFFF80  }
0x38: {  	[spmem:s1] =	stream.indirect.scatter.add.f32 [tilespmem:s13], [sflag:$0x1], $0x1, s15, s10, $0xb8;
	[tilespmem:$0x5100] =	vst v63  }
0x39: {  	_ =	swait.ge [sflag:s9], $0x80  }
0x3a: {  	[sflag:s9] =	ssyncset.done $0x0  }
0x3b: {  	[sflag:s9] =	ssyncadd.s32 $0xFFFFFF80  }
0x3c: {  	[spmem:s1] =	stream.indirect.scatter.add.f32 [tilespmem:s13], [sflag:$0x1], $0x1, s16, s10, $0xb8;
	[tilespmem:$0x5100] =	vst v63  }
0x3d: {  	_ =	swait.ge [sflag:s9], $0x80  }
0x3e: {  	[sflag:s9] =	ssyncset.done $0x0  }
0x3f: {  	[sflag:s9] =	ssyncadd.s32 $0xFFFFFF80  }
0x40: {  	[spmem:s1] =	stream.indirect.scatter.add.f32 [tilespmem:s13], [sflag:$0x1], $0x1, s17, s10, $0xb8;
	[tilespmem:$0x5100] =	vst v63  }
0x41: {  	_ =	swait.ge [sflag:s9], $0x80  }
0x42: {  	[sflag:s9] =	ssyncset.done $0x0  }
0x43: {  	[sflag:s9] =	ssyncadd.s32 $0xFFFFFF80  }
0x44: {  	[spmem:s1] =	stream.indirect.scatter.add.f32 [tilespmem:s13], [sflag:$0x1], $0x1, s18, s10, $0xb8;
	[tilespmem:$0x5100] =	vst v63  }
0x45: {  	_ =	swait.ge [sflag:s9], $0x80  }
0x46: {  	[sflag:s9] =	ssyncset.done $0x0  }
0x47: {  	[sflag:s9] =	ssyncadd.s32 $0xFFFFFF80  }
0x48: {  	[spmem:s1] =	stream.indirect.scatter.add.f32 [tilespmem:s13], [sflag:$0x1], $0x1, s19, s10, $0xb8;
	[tilespmem:$0x5100] =	vst v63  }
0x49: {  	_ =	swait.ge [sflag:s9], $0x80  }
0x4a: {  	[sflag:s9] =	ssyncset.done $0x0  }
0x4b: {  	[sflag:s9] =	ssyncadd.s32 $0xFFFFFF80  }
0x4c: {  	[bflag:$0x0] =	sbarrier.arrive $0xFFFF  }
0x4d: {  	[tilespmem:s20], [sflag:$0x1] =	stream.linear.gather [spmem:s1], $0x4000, $0x38;
	[tilespmem:$0x5100] =	vst v63  }
0x4e: {  	_ =	swait.ge [sflag:s9], $0x4000  }
0x4f: {  	[sflag:s9] =	ssyncset.done $0x0  }
0x50: {  	[sflag:s9] =	ssyncadd.s32 $0xFFFFC000  }
0x51: {  	v2 =	vld [tilespmem:$0x0]  }
0x52: {  	v3 =	vld [tilespmem:$0x10]  }
0x53: {  	v4 =	vld [tilespmem:$0x20]  }
0x54: {  	v7 =	vld [tilespmem:$0x400]  }
0x55: {  	v5 =	vld [tilespmem:$0x30]  }
0x56: {  	v9 =	vld [tilespmem:$0x410]  }
0x57: {  	v6 =	vld [tilespmem:$0x40]  }
0x58: {  	v11 =	vld [tilespmem:$0x420]  }
0x59: {  	v8 =	vld [tilespmem:$0x50]  }
0x5a: {  	v13 =	vld [tilespmem:$0x430]  }
0x5b: {  	v46 =	vld [tilespmem:$0x60]  }
0x5c: {  	v16 =	vld [tilespmem:$0x440]  }
0x5d: {  	v47 =	vld [tilespmem:$0x70]  }
0x5e: {  	v19 =	vld [tilespmem:$0x450]  }
0x5f: {  	v48 =	vld [tilespmem:$0x80]  }
0x60: {  	v21 =	vld [tilespmem:$0x460]  }
0x61: {  	v49 =	vld [tilespmem:$0x90]  }
0x62: {  	v23 =	vld [tilespmem:$0x470]  }
0x63: {  	v50 =	vld [tilespmem:$0xA0]  }
0x64: {  	v25 =	vld [tilespmem:$0x480]  }
0x65: {  	v51 =	vld [tilespmem:$0xB0]  }
0x66: {  	v27 =	vld [tilespmem:$0x490]  }
0x67: {  	v52 =	vld [tilespmem:$0xC0]  }
0x68: {  	v29 =	vld [tilespmem:$0x4A0]  }
0x69: {  	v53 =	vld [tilespmem:$0xD0]  }
0x6a: {  	v31 =	vld [tilespmem:$0x4B0]  }
0x6b: {  	v54 =	vld [tilespmem:$0xE0]  }
0x6c: {  	v33 =	vld [tilespmem:$0x4C0]  }
0x6d: {  	v55 =	vld [tilespmem:$0xF0]  }
0x6e: {  	v18 =	vld [tilespmem:$0x4D0]  }
0x6f: {  	v56 =	vld [tilespmem:$0x100]  }
0x70: {  	v15 =	vld [tilespmem:$0x4E0]  }
0x71: {  	v37 =	vld [tilespmem:$0x110]  }
0x72: {  	v12 =	vld [tilespmem:$0x4F0]  }
0x73: {  	v57 =	vld [tilespmem:$0x120]  }
0x74: {  	v10 =	vld [tilespmem:$0x500]  }
0x75: {  	v40 =	vld [tilespmem:$0x130]  }
0x76: {  	v41 =	vld [tilespmem:$0x140]  }
0x77: {  	v43 =	vld [tilespmem:$0x150]  }
0x78: {  	v58 =	vld [tilespmem:$0x160]  }
0x79: {  	v59 =	vld [tilespmem:$0x170]  }
0x7a: {  	v62 =	vld [tilespmem:$0x180]  }
0x7b: {  	v2 =	vld.idx.msk [tilespmem:v2+s20+$0x0], $0xffff  }
0x7c: {  	v3 =	vld.idx.msk [tilespmem:v3+s20+$0x0], $0xffff  }
0x7d: {  	v4 =	vld.idx.msk [tilespmem:v4+s20+$0x0], $0xffff  }
0x7e: {  	v14 =	vld.idx.msk [tilespmem:v5+s20+$0x0], $0xffff  }
0x7f: {  	v17 =	vld.idx.msk [tilespmem:v6+s20+$0x0], $0xffff  }
0x80: {  	v20 =	vld.idx.msk [tilespmem:v8+s20+$0x0], $0xffff;
	v2 =	vadd.f32 $9.999999970e-07, v2  }
0x81: {  	v22 =	vld.idx.msk [tilespmem:v46+s20+$0x0], $0xffff  }
0x82: {  	v24 =	vld.idx.msk [tilespmem:v47+s20+$0x0], $0xffff;
	(erf) = vrcp.f32 v2  }
0x83: {  	v26 =	vld.idx.msk [tilespmem:v48+s20+$0x0], $0xffff  }
0x84: {  	v28 =	vld.idx.msk [tilespmem:v49+s20+$0x0], $0xffff;
	v2 =	vadd.f32 $9.999999970e-07, v3  }
0x85: {  	v30 =	vld.idx.msk [tilespmem:v50+s20+$0x0], $0xffff  }
0x86: {  	v32 =	vld.idx.msk [tilespmem:v51+s20+$0x0], $0xffff;
	(erf) = vrcp.f32 v2;
	v2 =	vadd.f32 $9.999999970e-07, v4  }
0x87: {  	v34 =	vld.idx.msk [tilespmem:v52+s20+$0x0], $0xffff;
	v3 =	vadd.f32 $9.999999970e-07, v14  }
0x88: {  	v35 =	vld.idx.msk [tilespmem:v53+s20+$0x0], $0xffff;
	(erf) = vrcp.f32 v2  }
0x89: {  	v36 =	vld.idx.msk [tilespmem:v54+s20+$0x0], $0xffff;
	(erf) = vrcp.f32 v3;
	v3 =	vadd.f32 $9.999999970e-07, v17  }
0x8a: {  	v38 =	vld.idx.msk [tilespmem:v55+s20+$0x0], $0xffff  }
0x8b: {  	v39 =	vld.idx.msk [tilespmem:v56+s20+$0x0], $0xffff;
	v60 =	vpop (erf);
	(erf) = vrcp.f32 v3  }
0x8c: {  	v8 =	vld [tilespmem:$0x510];
	v20 =	vadd.f32 $9.999999970e-07, v20  }
0x8d: {  	v37 =	vld.idx.msk [tilespmem:v37+s20+$0x0], $0xffff  }
0x8e: {  	v6 =	vld [tilespmem:$0x520];
	v61 =	vadd.f32 $9.999999970e-07, v22;
	v4 =	vmul.f32 v60, v7;
	(erf) = vrcp.f32 v20  }
0x8f: {  	v42 =	vld.idx.msk [tilespmem:v57+s20+$0x0], $0xffff;
	v48 =	vadd.f32 $9.999999970e-07, v24;
	v44 =	vpop (erf)  }
0x90: {  	v5 =	vld [tilespmem:$0x530];
	(erf) = vrcp.f32 v61;
	v63 =	vadd.f32 $0.0e+00, v4;
	v9 =	vmul.f32 v44, v9  }
0x91: {  	v40 =	vld.idx.msk [tilespmem:v40+s20+$0x0], $0xffff;
	v49 =	vpop (erf);
	(erf) = vrcp.f32 v48  }
0x92: {  	v41 =	vld.idx.msk [tilespmem:v41+s20+$0x0], $0xffff;
	v52 =	vadd.f32 $9.999999970e-07, v26;
	v9 =	vadd.f32 v9, v63;
	v11 =	vmul.f32 v49, v11  }
0x93: {  	v43 =	vld.idx.msk [tilespmem:v43+s20+$0x0], $0xffff;
	v55 =	vadd.f32 $9.999999970e-07, v28;
	v51 =	vpop (erf)  }
0x94: {  	v50 =	vld [tilespmem:$0x190];
	v13 =	vmul.f32 v51, v13;
	v11 =	vadd.f32 v11, v9;
	v54 =	vpop (erf);
	(erf) = vrcp.f32 v52  }
0x95: {  	v24 =	vld.idx.msk [tilespmem:v58+s20+$0x0], $0xffff;
	v58 =	vadd.f32 $9.999999970e-07, v30  }
0x96: {  	v53 =	vld [tilespmem:$0x1A0];
	v11 =	vadd.f32 v13, v11;
	v56 =	vmul.f32 v54, v16;
	(erf) = vrcp.f32 v55  }
0x97: {  	v46 =	vld [tilespmem:$0x1D0];
	v34 =	vadd.f32 $9.999999970e-07, v34;
	v61 =	vadd.f32 $9.999999970e-07, v32;
	v57 =	vpop (erf)  }
0x98: {  	v26 =	vld.idx.msk [tilespmem:v59+s20+$0x0], $0xffff;
	v16 =	vmul.f32 v57, v19;
	(erf) = vrcp.f32 v58;
	v13 =	vadd.f32 v56, v11  }
0x99: {  	v59 =	vld [tilespmem:$0x1B0];
	v45 =	vadd.f32 $9.999999970e-07, v35;
	v60 =	vpop (erf);
	(erf) = vrcp.f32 v61  }
0x9a: {  	v35 =	vld [tilespmem:$0x5F0];
	v17 =	vmul.f32 v60, v21;
	v63 =	vpop (erf);
	(erf) = vrcp.f32 v34;
	v16 =	vadd.f32 v16, v13  }
0x9b: {  	v14 =	vld [tilespmem:$0x5B0]  }
0x9c: {  	v20 =	vld.idx.msk [tilespmem:v62+s20+$0x0], $0xffff;
	v44 =	vmul.f32 v63, v23;
	v16 =	vadd.f32 v17, v16  }
0x9d: {  	v62 =	vld [tilespmem:$0x1C0];
	v48 =	vadd.f32 $9.999999970e-07, v36;
	v47 =	vpop (erf)  }
0x9e: {  	v28 =	vld.idx.msk [tilespmem:v50+s20+$0x0], $0xffff;
	v16 =	vadd.f32 v44, v16;
	(erf) = vrcp.f32 v45;
	v17 =	vmul.f32 v47, v25  }
0x9f: {  	v50 =	vld [tilespmem:$0x1E0];
	v52 =	vadd.f32 $9.999999970e-07, v38;
	v49 =	vpop (erf)  }
0xa0: {  	v30 =	vld.idx.msk [tilespmem:v46+s20+$0x0], $0xffff;
	(erf) = vrcp.f32 v48;
	v25 =	vmul.f32 v49, v27;
	v17 =	vadd.f32 v17, v16  }
0xa1: {  	v2 =	vld [tilespmem:$0x540];
	v55 =	vadd.f32 $9.999999970e-07, v39;
	v51 =	vpop (erf)  }
0xa2: {  	v22 =	vld.idx.msk [tilespmem:v59+s20+$0x0], $0xffff;
	v19 =	vmul.f32 v51, v29;
	v54 =	vpop (erf);
	(erf) = vrcp.f32 v52;
	v25 =	vadd.f32 v25, v17  }
0xa3: {  	v59 =	vld [tilespmem:$0x200];
	v57 =	vpop (erf);
	(erf) = vrcp.f32 v55  }
0xa4: {  	v3 =	vld [tilespmem:$0x550];
	v58 =	vadd.f32 $9.999999970e-07, v37;
	v56 =	vmul.f32 v54, v31;
	v19 =	vadd.f32 v19, v25  }
0xa5: {  	v21 =	vld.idx.msk [tilespmem:v62+s20+$0x0], $0xffff;
	v62 =	vadd.f32 $9.999999970e-07, v42  }
0xa6: {  	v7 =	vld [tilespmem:$0x570];
	v60 =	vmul.f32 v57, v33;
	(erf) = vrcp.f32 v58;
	v19 =	vadd.f32 v56, v19  }
0xa7: {  	v40 =	vadd.f32 $9.999999970e-07, v40;
	v32 =	vld.idx.msk [tilespmem:v50+s20+$0x0], $0xffff;
	v61 =	vpop (erf)  }
0xa8: {  	v50 =	vld [tilespmem:$0x240];
	(erf) = vrcp.f32 v62;
	v18 =	vmul.f32 v61, v18;
	v19 =	vadd.f32 v60, v19  }
0xa9: {  	v46 =	vadd.f32 $9.999999970e-07, v43;
	v4 =	vld [tilespmem:$0x560];
	v42 =	vadd.f32 $9.999999970e-07, v41;
	v39 =	vpop (erf)  }
0xaa: {  	v23 =	vld.idx.msk [tilespmem:v53+s20+$0x0], $0xffff;
	(erf) = vrcp.f32 v40;
	v15 =	vmul.f32 v39, v15;
	v18 =	vadd.f32 v18, v19  }
0xab: {  	v53 =	vld [tilespmem:$0x1F0];
	v45 =	vpop (erf);
	(erf) = vrcp.f32 v42  }
0xac: {  	v9 =	vld [tilespmem:$0x580];
	v12 =	vmul.f32 v45, v12;
	v47 =	vpop (erf);
	(erf) = vrcp.f32 v46;
	v15 =	vadd.f32 v15, v18  }
0xad: {  	v37 =	vld [tilespmem:$0x280]  }
0xae: {  	v11 =	vld [tilespmem:$0x590];
	v10 =	vmul.f32 v47, v10;
	v12 =	vadd.f32 v12, v15  }
0xaf: {  	v24 =	vadd.f32 $9.999999970e-07, v24;
	v13 =	vld [tilespmem:$0x5A0];
	v49 =	vpop (erf)  }
0xb0: {  	v63 =	vld [tilespmem:$0x210];
	v8 =	vmul.f32 v49, v8;
	v10 =	vadd.f32 v10, v12  }
0xb1: {  	v44 =	vld [tilespmem:$0x220];
	v52 =	vadd.f32 $9.999999970e-07, v26;
	v51 =	vpop (erf);
	(erf) = vrcp.f32 v24  }
0xb2: {  	v48 =	vld [tilespmem:$0x230];
	v6 =	vmul.f32 v51, v6;
	v8 =	vadd.f32 v8, v10  }
0xb3: {  	v20 =	vadd.f32 $9.999999970e-07, v20;
	v19 =	vld.idx.msk [tilespmem:v53+s20+$0x0], $0xffff;
	v53 =	vpop (erf);
	(erf) = vrcp.f32 v52  }
0xb4: {  	v27 =	vld.idx.msk [tilespmem:v59+s20+$0x0], $0xffff;
	v5 =	vmul.f32 v53, v5;
	v55 =	vpop (erf);
	v6 =	vadd.f32 v6, v8  }
0xb5: {  	v16 =	vld [tilespmem:$0x5C0];
	v56 =	vadd.f32 $9.999999970e-07, v28;
	(erf) = vrcp.f32 v20;
	v59 =	vpop (erf)  }
0xb6: {  	v26 =	vld [tilespmem:$0x620];
	v2 =	vmul.f32 v55, v2;
	v3 =	vmul.f32 v59, v3;
	v5 =	vadd.f32 v5, v6  }
0xb7: {  	v31 =	vld [tilespmem:$0x5E0];
	v60 =	vadd.f32 $9.999999970e-07, v23;
	(erf) = vrcp.f32 v56  }
0xb8: {  	v54 =	vld [tilespmem:$0x250];
	v2 =	vadd.f32 v2, v5  }
0xb9: {  	v17 =	vld [tilespmem:$0x5D0];
	v62 =	vadd.f32 $9.999999970e-07, v22;
	(erf) = vrcp.f32 v60  }
0xba: {  	v33 =	vld [tilespmem:$0x600];
	v2 =	vadd.f32 v3, v2;
	v3 =	vpop (erf)  }
0xbb: {  	v29 =	vadd.f32 $9.999999970e-07, v21;
	v58 =	vld [tilespmem:$0x260];
	(erf) = vrcp.f32 v62;
	v3 =	vmul.f32 v3, v4  }
0xbc: {  	v25 =	vld.idx.msk [tilespmem:v63+s20+$0x0], $0xffff;
	v36 =	vpop (erf)  }
0xbd: {  	v63 =	vld [tilespmem:$0x270];
	(erf) = vrcp.f32 v29;
	v2 =	vadd.f32 v3, v2;
	v3 =	vmul.f32 v36, v7  }
0xbe: {  	v57 =	vld.idx.msk [tilespmem:v48+s20+$0x0], $0xffff;
	v38 =	vpop (erf)  }
0xbf: {  	v22 =	vld [tilespmem:$0x690];
	v2 =	vadd.f32 v3, v2;
	v3 =	vmul.f32 v38, v9  }
0xc0: {  	v28 =	vld [tilespmem:$0x2F0];
	v39 =	vadd.f32 $9.999999970e-07, v30;
	v41 =	vpop (erf)  }
0xc1: {  	v61 =	vld.idx.msk [tilespmem:v50+s20+$0x0], $0xffff;
	v2 =	vadd.f32 v3, v2;
	v3 =	vmul.f32 v41, v11  }
0xc2: {  	v42 =	vadd.f32 $9.999999970e-07, v32;
	v10 =	vld.idx.msk [tilespmem:v44+s20+$0x0], $0xffff;
	(erf) = vrcp.f32 v39;
	v44 =	vpop (erf)  }
0xc3: {  	v40 =	vld [tilespmem:$0x290];
	v2 =	vadd.f32 v3, v2;
	v3 =	vmul.f32 v44, v13  }
0xc4: {  	v50 =	vld [tilespmem:$0x2B0];
	v45 =	vadd.f32 $9.999999970e-07, v19;
	(erf) = vrcp.f32 v42;
	v47 =	vpop (erf)  }
0xc5: {  	v23 =	vld [tilespmem:$0x640];
	v2 =	vadd.f32 v3, v2;
	v3 =	vmul.f32 v47, v14  }
0xc6: {  	v48 =	vadd.f32 $9.999999970e-07, v27;
	v34 =	vld.idx.msk [tilespmem:v54+s20+$0x0], $0xffff;
	(erf) = vrcp.f32 v45;
	v51 =	vpop (erf)  }
0xc7: {  	v46 =	vld [tilespmem:$0x2A0];
	v2 =	vadd.f32 v3, v2;
	v3 =	vmul.f32 v51, v16  }
0xc8: {  	v54 =	vadd.f32 $9.999999970e-07, v57;
	v57 =	vld [tilespmem:$0x2D0];
	v52 =	vadd.f32 $9.999999970e-07, v25;
	(erf) = vrcp.f32 v48  }
0xc9: {  	v43 =	vld.idx.msk [tilespmem:v63+s20+$0x0], $0xffff  }
0xca: {  	v49 =	vld.idx.msk [tilespmem:v37+s20+$0x0], $0xffff;
	v10 =	vadd.f32 $9.999999970e-07, v10;
	(erf) = vrcp.f32 v52  }
0xcb: {  	v37 =	vld [tilespmem:$0x6F0];
	v2 =	vadd.f32 v3, v2;
	v3 =	vpop (erf)  }
0xcc: {  	v15 =	vld [tilespmem:$0x610];
	(erf) = vrcp.f32 v10;
	v3 =	vmul.f32 v3, v17  }
0xcd: {  	v24 =	vld [tilespmem:$0x670];
	v56 =	vpop (erf)  }
0xce: {  	v25 =	vld [tilespmem:$0x3A0];
	(erf) = vrcp.f32 v54;
	v2 =	vadd.f32 v3, v2;
	v3 =	vmul.f32 v56, v31  }
0xcf: {  	v6 =	vld.idx.msk [tilespmem:v58+s20+$0x0], $0xffff;
	v58 =	vpop (erf)  }
0xd0: {  	v20 =	vld [tilespmem:$0x650];
	v2 =	vadd.f32 v3, v2;
	v3 =	vmul.f32 v58, v35  }
0xd1: {  	v53 =	vld [tilespmem:$0x2C0];
	v5 =	vadd.f32 $9.999999970e-07, v61;
	v60 =	vpop (erf)  }
0xd2: {  	v55 =	vld.idx.msk [tilespmem:v46+s20+$0x0], $0xffff;
	v2 =	vadd.f32 v3, v2;
	v3 =	vmul.f32 v60, v33  }
0xd3: {  	v8 =	vld [tilespmem:$0x630];
	v61 =	vadd.f32 $9.999999970e-07, v34;
	(erf) = vrcp.f32 v5;
	v63 =	vpop (erf)  }
0xd4: {  	v19 =	vld.idx.msk [tilespmem:v57+s20+$0x0], $0xffff;
	v2 =	vadd.f32 v3, v2;
	v3 =	vmul.f32 v63, v15  }
0xd5: {  	v46 =	vld [tilespmem:$0x330];
	v27 =	vadd.f32 $9.999999970e-07, v6;
	(erf) = vrcp.f32 v61;
	v30 =	vpop (erf)  }
0xd6: {  	v7 =	vld.idx.msk [tilespmem:v40+s20+$0x0], $0xffff;
	v2 =	vadd.f32 v3, v2;
	v3 =	vmul.f32 v30, v26  }
0xd7: {  	v59 =	vld [tilespmem:$0x2E0];
	v9 =	vadd.f32 $9.999999970e-07, v43;
	(erf) = vrcp.f32 v27;
	v32 =	vpop (erf)  }
0xd8: {  	v34 =	vld [tilespmem:$0x6E0];
	v2 =	vadd.f32 v3, v2;
	v3 =	vmul.f32 v32, v8  }
0xd9: {  	v12 =	vld.idx.msk [tilespmem:v25+s20+$0x0], $0xffff;
	v33 =	vadd.f32 $9.999999970e-07, v49;
	(erf) = vrcp.f32 v9  }
0xda: {  	v62 =	vld [tilespmem:$0x6C0]  }
0xdb: {  	v4 =	vld [tilespmem:$0x660];
	v7 =	vadd.f32 $9.999999970e-07, v7;
	(erf) = vrcp.f32 v33  }
0xdc: {  	v29 =	vld [tilespmem:$0x6D0];
	v2 =	vadd.f32 v3, v2;
	v3 =	vpop (erf)  }
0xdd: {  	v38 =	vadd.f32 $9.999999970e-07, v55;
	v13 =	vld.idx.msk [tilespmem:v50+s20+$0x0], $0xffff;
	(erf) = vrcp.f32 v7;
	v3 =	vmul.f32 v3, v23  }
0xde: {  	v14 =	vld.idx.msk [tilespmem:v53+s20+$0x0], $0xffff;
	v39 =	vpop (erf)  }
0xdf: {  	v31 =	vld [tilespmem:$0x300];
	(erf) = vrcp.f32 v38;
	v2 =	vadd.f32 v3, v2;
	v3 =	vmul.f32 v39, v20  }
0xe0: {  	v11 =	vld [tilespmem:$0x680];
	v42 =	vpop (erf)  }
0xe1: {  	v36 =	vld [tilespmem:$0x310];
	v2 =	vadd.f32 v3, v2;
	v3 =	vmul.f32 v42, v4  }
0xe2: {  	v6 =	vld.idx.msk [tilespmem:v28+s20+$0x0], $0xffff;
	v13 =	vadd.f32 $9.999999970e-07, v13;
	v44 =	vpop (erf)  }
0xe3: {  	v35 =	vld.idx.msk [tilespmem:v59+s20+$0x0], $0xffff;
	v2 =	vadd.f32 v3, v2;
	v3 =	vmul.f32 v44, v24  }
0xe4: {  	v16 =	vld [tilespmem:$0x6A0];
	v45 =	vadd.f32 $9.999999970e-07, v14;
	(erf) = vrcp.f32 v13;
	v47 =	vpop (erf)  }
0xe5: {  	v40 =	vld [tilespmem:$0x320];
	v2 =	vadd.f32 v3, v2;
	v3 =	vmul.f32 v47, v11  }
0xe6: {  	v48 =	vadd.f32 $9.999999970e-07, v19;
	v50 =	vld [tilespmem:$0x340];
	(erf) = vrcp.f32 v45;
	v51 =	vpop (erf)  }
0xe7: {  	v5 =	vld.idx.msk [tilespmem:v31+s20+$0x0], $0xffff;
	v2 =	vadd.f32 v3, v2;
	v3 =	vmul.f32 v51, v22  }
0xe8: {  	v10 =	vld [tilespmem:$0x6B0];
	v8 =	vadd.f32 $9.999999970e-07, v35;
	(erf) = vrcp.f32 v48;
	v54 =	vpop (erf)  }
0xe9: {  	v9 =	vld.idx.msk [tilespmem:v36+s20+$0x0], $0xffff;
	v2 =	vadd.f32 v3, v2;
	v3 =	vmul.f32 v54, v16  }
0xea: {  	v57 =	vld.idx.msk [tilespmem:v46+s20+$0x0], $0xffff;
	v6 =	vadd.f32 $9.999999970e-07, v6;
	(erf) = vrcp.f32 v8  }
0xeb: {  	v43 =	vld [tilespmem:$0x710]  }
0xec: {  	v53 =	vld [tilespmem:$0x350];
	v5 =	vadd.f32 $9.999999970e-07, v5;
	(erf) = vrcp.f32 v6  }
0xed: {  	v52 =	vld.idx.msk [tilespmem:v40+s20+$0x0], $0xffff;
	v2 =	vadd.f32 v3, v2;
	v3 =	vpop (erf)  }
0xee: {  	v56 =	vld [tilespmem:$0x360];
	v59 =	vadd.f32 $9.999999970e-07, v9;
	(erf) = vrcp.f32 v5;
	v3 =	vmul.f32 v3, v10  }
0xef: {  	v55 =	vld [tilespmem:$0x730];
	v61 =	vpop (erf)  }
0xf0: {  	v58 =	vld [tilespmem:$0x370];
	(erf) = vrcp.f32 v59;
	v2 =	vadd.f32 v3, v2;
	v3 =	vmul.f32 v61, v62  }
0xf1: {  	v11 =	vld.idx.msk [tilespmem:v50+s20+$0x0], $0xffff;
	v63 =	vpop (erf)  }
0xf2: {  	v62 =	vld [tilespmem:$0x380];
	v2 =	vadd.f32 v3, v2;
	v3 =	vmul.f32 v63, v29  }
0xf3: {  	v41 =	vld [tilespmem:$0x700];
	v20 =	vadd.f32 $9.999999970e-07, v52;
	v23 =	vpop (erf)  }
0xf4: {  	v13 =	vld.idx.msk [tilespmem:v53+s20+$0x0], $0xffff;
	v2 =	vadd.f32 v3, v2;
	v3 =	vmul.f32 v23, v34  }
0xf5: {  	v40 =	vld [tilespmem:$0x760];
	v6 =	vadd.f32 $9.999999970e-07, v57;
	(erf) = vrcp.f32 v20;
	v26 =	vpop (erf)  }
0xf6: {  	v24 =	vld.idx.msk [tilespmem:v56+s20+$0x0], $0xffff;
	v2 =	vadd.f32 v3, v2;
	v3 =	vmul.f32 v26, v37  }
0xf7: {  	v22 =	vld [tilespmem:$0x390];
	v11 =	vadd.f32 $9.999999970e-07, v11;
	(erf) = vrcp.f32 v6;
	v28 =	vpop (erf)  }
0xf8: {  	v14 =	vld.idx.msk [tilespmem:v58+s20+$0x0], $0xffff;
	v2 =	vadd.f32 v3, v2;
	v3 =	vmul.f32 v28, v41  }
0xf9: {  	v49 =	vld [tilespmem:$0x720];
	v13 =	vadd.f32 $9.999999970e-07, v13;
	(erf) = vrcp.f32 v11;
	v30 =	vpop (erf)  }
0xfa: {  	v5 =	vld.idx.msk [tilespmem:v62+s20+$0x0], $0xffff;
	v2 =	vadd.f32 v3, v2;
	v3 =	vmul.f32 v30, v43  }
0xfb: {  	v27 =	vld [tilespmem:$0x3B0];
	v31 =	vadd.f32 $9.999999970e-07, v24;
	(erf) = vrcp.f32 v13  }
0xfc: {  	v60 =	vld [tilespmem:$0x740]  }
0xfd: {  	v32 =	vld [tilespmem:$0x3C0];
	v34 =	vadd.f32 $9.999999970e-07, v14;
	(erf) = vrcp.f32 v31  }
0xfe: {  	v35 =	vld [tilespmem:$0x3D0];
	v2 =	vadd.f32 v3, v2;
	v3 =	vpop (erf)  }
0xff: {  	v33 =	vld.idx.msk [tilespmem:v22+s20+$0x0], $0xffff;
	v5 =	vadd.f32 $9.999999970e-07, v5;
	(erf) = vrcp.f32 v34;
	v3 =	vmul.f32 v3, v49  }
0x100: {  	v29 =	vld [tilespmem:$0x750];
	v37 =	vpop (erf)  }
0x101: {  	v36 =	vld [tilespmem:$0x3E0];
	(erf) = vrcp.f32 v5;
	v2 =	vadd.f32 v3, v2;
	v3 =	vmul.f32 v37, v55  }
0x102: {  	v38 =	vld [tilespmem:$0x3F0];
	v39 =	vpop (erf)  }
0x103: {  	v6 =	vld.idx.msk [tilespmem:v27+s20+$0x0], $0xffff;
	v2 =	vadd.f32 v3, v2;
	v3 =	vmul.f32 v39, v60  }
0x104: {  	v4 =	vadd.f32 $9.999999970e-07, v33;
	v43 =	vld [tilespmem:$0x770];
	v42 =	vpop (erf)  }
0x105: {  	v41 =	vld.idx.msk [tilespmem:v32+s20+$0x0], $0xffff;
	v2 =	vadd.f32 v3, v2;
	v3 =	vmul.f32 v42, v29  }
0x106: {  	v46 =	vld [tilespmem:$0x780];
	v12 =	vadd.f32 $9.999999970e-07, v12;
	(erf) = vrcp.f32 v4;
	v45 =	vpop (erf)  }
0x107: {  	v44 =	vld.idx.msk [tilespmem:v35+s20+$0x0], $0xffff;
	v2 =	vadd.f32 v3, v2;
	v3 =	vmul.f32 v45, v40  }
0x108: {  	v6 =	vadd.f32 $9.999999970e-07, v6;
	(erf) = vrcp.f32 v12;
	v47 =	vpop (erf)  }
0x109: {  	v7 =	vld.idx.msk [tilespmem:v36+s20+$0x0], $0xffff;
	v2 =	vadd.f32 v3, v2;
	v3 =	vmul.f32 v47, v43  }
0x10a: {  	v48 =	vld [tilespmem:$0x790];
	v8 =	vadd.f32 $9.999999970e-07, v41;
	(erf) = vrcp.f32 v6;
	v50 =	vpop (erf)  }
0x10b: {  	v49 =	vld.idx.msk [tilespmem:v38+s20+$0x0], $0xffff;
	v2 =	vadd.f32 v3, v2;
	v3 =	vmul.f32 v50, v46  }
0x10c: {  	v51 =	vadd.f32 $9.999999970e-07, v44;
	(erf) = vrcp.f32 v8  }
0x10d: {  	v52 =	vld [tilespmem:$0x7A0]  }
0x10e: {  	v7 =	vadd.f32 $9.999999970e-07, v7;
	(erf) = vrcp.f32 v51  }
0x10f: {  	v53 =	vld [tilespmem:$0x7B0];
	v2 =	vadd.f32 v3, v2;
	v3 =	vpop (erf)  }
0x110: {  	v4 =	vadd.f32 $9.999999970e-07, v49;
	(erf) = vrcp.f32 v7;
	v3 =	vmul.f32 v3, v48  }
0x111: {  	v55 =	vld [tilespmem:$0x7C0];
	v54 =	vpop (erf)  }
0x112: {  	(erf) = vrcp.f32 v4;
	v2 =	vadd.f32 v3, v2;
	v3 =	vmul.f32 v54, v52  }
0x113: {  	v57 =	vld [tilespmem:$0x7D0];
	v56 =	vpop (erf)  }
0x114: {  	v2 =	vadd.f32 v3, v2;
	v3 =	vmul.f32 v56, v53  }
0x115: {  	v59 =	vld [tilespmem:$0x7E0];
	v58 =	vpop (erf)  }
0x116: {  	v2 =	vadd.f32 v3, v2;
	v3 =	vmul.f32 v58, v55  }
0x117: {  	v61 =	vld [tilespmem:$0x7F0];
	v60 =	vpop (erf)  }
0x118: {  	v2 =	vadd.f32 v3, v2;
	v3 =	vmul.f32 v60, v57  }
0x119: {  	v62 =	vpop (erf)  }
0x11a: {  	v2 =	vadd.f32 v3, v2;
	v3 =	vmul.f32 v62, v59  }
0x11b: {  	v63 =	vpop (erf)  }
0x11c: {  	v2 =	vadd.f32 v3, v2;
	v3 =	vmul.f32 v63, v61;
	_ =	sdelay $0x1  }
0x11d: {  	s22 =	sadd.s32 $0x1, s22;
	v2 =	vadd.f32 v3, v2  }
0x11e: {  	p0 =	sne.s32 s22, s8  }
.Ltmp1:
0x11f: {  	[tilespmem:$0x4C80] =	vst v2;
	(pc) =	sbr.rel @p0 .LBB2_1-.Ltmp1, $4  }
0x120: {  	[hbm4b:s7+s3] =	stream.linear.scatter [tilespmem:s21], [sflag:$0x1], $0x80, $0x38;
	[tilespmem:$0x5100] =	vst v63  }
0x121: {  	_ =	swait.ge [sflag:s9], $0x80  }
0x122: {  	[sflag:s9] =	ssyncset.done $0x0  }
0x123: {  	[sflag:s9] =	ssyncadd.s32 $0xFFFFFF80  }
0x124: {  	_ =	sfence.sel $0x180000  }
0x125: {  	[bflag:$0x0] =	sbarrier.arrive $0xFFFF  }
0x126: {  	p0 =	sne.s32 s2, $0x0;
	_ =	strace $0x90000047  }
0x127: {  	s0 =	sadd.s32 @!p0 $0x100000, s0;
	[bflag:$0x2] =	sbarrier.arrive $0xFFFF  }
0x128: {  	[sflag:s0] =	ssyncadd.tile.s32 @!p0 $0x1;
	_ =	shalt  }
.Lfunc_end2:
_tile_overlayer_lowered:
.L_overlay_start_2:
0x129: {  	(tag) =	ssettag $0x2  }
0x12a: {  	s0 =	rddreg [dreg:$0x0];
	s2 =	stileid.u32  }
0x12b: {  	s1 =	rddreg [dreg:$0x1];
	p0 =	sne.s32 s2, $0x0  }
0x12c: {  	s3 =	rddreg [dreg:$0x2];
	[bflag:$0x3] =	sbarrier.arrive $0xFFFF;
	s2 =	simm.s32 @!p0 $0x1C01  }
0x12d: {  	[timem:s3], [sflag:s2] =	dma.local @!p0 [hbm:s0], s1  }
0x12e: {  	s0 =	simm.s32 @!p0 $0x1  }
0x12f: {  	_ =	swait.ge @!p0 [sflag:s0], s1  }
0x130: {  	s1 =	ssub.s32 @!p0 $0x0, s1;
	[sflag:s0] =	ssyncset.done @!p0 $0x0  }
0x131: {  	[sflag:s0] =	ssyncadd.s32 @!p0 s1  }
0x132: {  	[bflag:$0x3] =	sbarrier.arrive $0xFFFF  }
0x133: {  	_ =	shalt  }

</sc_bundles>
